<compile_context>
chip_gen: v7x
topology: tpu7x:2x2x1
jax: 0.10.2.dev20260603
libtpu: 0.0.44.dev20260713+nightly
codegen_flags: <defaults>
</compile_context>

<pallas_src>
import functools

import jax
import jax.numpy as jnp
from jax import lax
from jax.experimental import pallas as pl
from jax.experimental.pallas import tpu as pltpu
from jax.experimental.pallas import tpu_sc as plsc

B = 1024
M = 1024
EMB = 128
D_OUT = 2048
TAU = 0.07
GAMMA = 0.5

NC = 2
NS = 16
NW = NC * NS
B_PER_W = B // NW
CH = 128
CHUNKS = M // CH
STEPS = B_PER_W * CHUNKS


def _emb_body(x_ref, w_ref, b_ref, o_ref):
    e = jnp.dot(x_ref[...], w_ref[...], preferred_element_type=jnp.float32)
    e = e + b_ref[...]
    n = jnp.sqrt(jnp.sum(e * e, axis=1, keepdims=True))
    o_ref[...] = e / jnp.maximum(n, 1e-12)


def _emb_call(outputs, W, b2d):
    grid = 4
    rows = B // grid
    return pl.pallas_call(
        _emb_body,
        grid=(grid,),
        in_specs=[
            pl.BlockSpec((rows, D_OUT), lambda i: (i, 0)),
            pl.BlockSpec((D_OUT, EMB), lambda i: (0, 0)),
            pl.BlockSpec((1, EMB), lambda i: (0, 0)),
        ],
        out_specs=pl.BlockSpec((rows, EMB), lambda i: (i, 0)),
        out_shape=jax.ShapeDtypeStruct((B, EMB), jnp.float32),
    )(outputs, W, b2d)


NBUF = 2


def _sc_body(bank, emb, posidx, negidx, neg_out, pos_out,
             idxb, rowb, embv, outv, parts, pidxv, prowv,
             isems, rsems, osem, psem):
    wid = lax.axis_index("s") * NC + lax.axis_index("c")
    base = wid * STEPS
    bbase = wid * B_PER_W

    pltpu.sync_copy(emb.at[pl.ds(bbase, B_PER_W)], embv)

    for t in range(NBUF):
        pltpu.make_async_copy(negidx.at[base + t], idxb[t], isems[t]).start()
    for t in range(NBUF - 1):
        pltpu.make_async_copy(negidx.at[base + t], idxb[t], isems[t]).wait()
        pltpu.make_async_copy(bank.at[idxb[t]], rowb[t], rsems[t]).start()

    pltpu.sync_copy(posidx.at[pl.ds(bbase, B_PER_W)], pidxv)
    pltpu.make_async_copy(bank.at[pidxv], prowv, psem).start()

    lane = lax.iota(jnp.int32, 16)
    lane17 = lane * 17

    def step(s, r):
        rn = (r + NBUF - 1) % NBUF

        @pl.when(s + NBUF - 1 < STEPS)
        def _():
            pltpu.make_async_copy(negidx.at[base + s + NBUF - 1], idxb[rn],
                                  isems[rn]).wait()
            pltpu.make_async_copy(bank.at[idxb[rn]], rowb[rn],
                                  rsems[rn]).start()

        pltpu.make_async_copy(bank.at[idxb[r]], rowb[r], rsems[r]).wait()

        @pl.when(s + NBUF < STEPS)
        def _():
            pltpu.make_async_copy(negidx.at[base + s + NBUF], idxb[r],
                                  isems[r]).start()

        bl = s // CHUNKS
        c = s % CHUNKS

        @pl.when(jnp.logical_and(c == 0, bl > 0))
        def _():
            pltpu.make_async_copy(outv, neg_out.at[bbase + bl - 1],
                                  osem).wait()

        emb_vecs = [embv[bl, pl.ds(16 * k, 16)] for k in range(8)]
        row_cur = rowb[r]

        @plsc.parallel_loop(0, CH, unroll=8)
        def _(m):
            p = [row_cur[m, pl.ds(16 * k, 16)] * emb_vecs[k]
                 for k in range(8)]
            parts[pl.ds(m * 17, 16)] = \
                ((p[0] + p[1]) + (p[2] + p[3])) + \
                ((p[4] + p[5]) + (p[6] + p[7]))

        @plsc.parallel_loop(0, CH // 16, unroll=2)
        def _(g):
            lidx = lane17 + g * (16 * 17)
            cols = [plsc.load_gather(parts, [lidx + l])
                    for l in range(16)]
            t0 = ((cols[0] + cols[1]) + (cols[2] + cols[3])) + \
                 ((cols[4] + cols[5]) + (cols[6] + cols[7]))
            t1 = ((cols[8] + cols[9]) + (cols[10] + cols[11])) + \
                 ((cols[12] + cols[13]) + (cols[14] + cols[15]))
            outv[pl.ds(c * CH + g * 16, 16)] = t0 + t1

        @pl.when(c == CHUNKS - 1)
        def _():
            pltpu.make_async_copy(outv, neg_out.at[bbase + bl], osem).start()

    def body(q, carry):
        for r in range(NBUF):
            step(NBUF * q + r, r)
        return carry

    lax.fori_loop(0, STEPS // NBUF, body, 0)
    pltpu.make_async_copy(outv, neg_out.at[bbase + B_PER_W - 1], osem).wait()
    pltpu.make_async_copy(bank.at[pidxv], prowv, psem).wait()
    pltpu.sync_copy(prowv, pos_out.at[pl.ds(bbase, B_PER_W)])


_sc_call = functools.partial(
    pl.kernel,
    out_type=[
        jax.ShapeDtypeStruct((B, M), jnp.float32),
        jax.ShapeDtypeStruct((B, EMB), jnp.float32),
    ],
    mesh=plsc.VectorSubcoreMesh(core_axis_name="c", subcore_axis_name="s",
                                num_cores=NC, num_subcores=NS),
    compiler_params=pltpu.CompilerParams(needs_layout_passes=False),
    scratch_types=[
        [pltpu.VMEM((CH,), jnp.int32) for _ in range(NBUF)],
        [pltpu.VMEM((CH, EMB), jnp.float32) for _ in range(NBUF)],
        pltpu.VMEM((B_PER_W, EMB), jnp.float32),
        pltpu.VMEM((M,), jnp.float32),
        pltpu.VMEM((CH * 17,), jnp.float32),
        pltpu.VMEM((B_PER_W,), jnp.int32),
        pltpu.VMEM((B_PER_W, EMB), jnp.float32),
        [pltpu.SemaphoreType.DMA for _ in range(NBUF)],
        [pltpu.SemaphoreType.DMA for _ in range(NBUF)],
        pltpu.SemaphoreType.DMA,
        pltpu.SemaphoreType.DMA,
    ],
)(_sc_body)


def _loss_body(neg_ref, pm_ref, emb_ref, loss_ref, upd_ref, dl_ref, nl_ref):
    emb = emb_ref[...]
    pm = pm_ref[...]
    u_pos = jnp.sum(emb * pm, axis=1) / TAU
    u_neg = neg_ref[...] * (1.0 / TAU)

    mx = jnp.max(u_neg, axis=1)
    log_C = mx + jnp.log(jnp.sum(jnp.exp(u_neg - mx[:, None]), axis=1))

    mxd = jnp.maximum(u_pos, log_C)
    ldd = mxd + jnp.log(jnp.exp(u_pos - mxd) + jnp.exp(log_C - mxd))
    data_loss = -jnp.sum(u_pos - ldd) / B

    d = u_neg - log_C[:, None]
    noise_loss = jnp.sum(jnp.maximum(d, 0.0) +
                         jnp.log(1.0 + jnp.exp(-jnp.abs(d)))) / B

    loss_ref[...] = jnp.reshape(data_loss + noise_loss, (1, 1))
    dl_ref[...] = jnp.reshape(data_loss, (1, 1))
    nl_ref[...] = jnp.reshape(noise_loss, (1, 1))

    upd = GAMMA * pm + (1.0 - GAMMA) * emb
    n = jnp.sqrt(jnp.sum(upd * upd, axis=1, keepdims=True))
    upd_ref[...] = upd / jnp.maximum(n, 1e-12)


def _loss_call(neg_inner, pos_mem, emb):
    return pl.pallas_call(
        _loss_body,
        out_shape=[
            jax.ShapeDtypeStruct((1, 1), jnp.float32),
            jax.ShapeDtypeStruct((B, EMB), jnp.float32),
            jax.ShapeDtypeStruct((1, 1), jnp.float32),
            jax.ShapeDtypeStruct((1, 1), jnp.float32),
        ],
    )(neg_inner, pos_mem, emb)


def kernel(outputs, indices, memory_bank, W, b, neg_idxs):
    emb = _emb_call(outputs.astype(jnp.float32), W, b.reshape(1, EMB))
    neg_flat = neg_idxs.astype(jnp.int32).reshape(B * CHUNKS, CH)
    neg_inner, pos_mem = _sc_call(memory_bank, emb,
                                  indices.astype(jnp.int32), neg_flat)
    loss, upd, dl, nl = _loss_call(neg_inner, pos_mem, emb)
    return loss[0, 0], upd, dl[0, 0], nl[0, 0]

# --- scband reference (transcript-rebuilt; emitter-appended) ---
"""Pipeline reference for scband-instance-discrimination-loss-11879879544580 (READ-ONLY COPY).

The authoritative reference and input builder live on the scoring server;
editing this copy changes nothing except your own understanding.
"""

import jax, jax.numpy as jnp
import numpy as np

N = 1000000
D_OUT = 2048
EMB = 128
B = 1024
M = 1024
TAU = 0.07
GAMMA = 0.5


def l2_normalize(x):
    n = jnp.linalg.norm(x, axis=1, keepdims=True)
    return x / jnp.maximum(n, 1e-12)


def setup_inputs(seed: int = 0) -> dict:
    key = jax.random.key(seed)
    k1, k2, k3, k4, k5 = jax.random.split(key, 5)
    outputs = jax.random.normal(k1, (B, D_OUT), dtype=jnp.float32)
    indices = jax.random.randint(k2, (B,), 0, N)
    memory_bank = l2_normalize(jax.random.normal(k3, (N, EMB), dtype=jnp.float32))
    W = jax.random.normal(k4, (D_OUT, EMB), dtype=jnp.float32) * 0.02
    b = jnp.zeros((EMB,), dtype=jnp.float32)
    # torch forward draws negatives with torch.randint inside forward; we
    # materialize them deterministically here so the reference is reproducible.
    neg_idxs = jax.random.randint(k5, (B, M), 0, N)
    return {"outputs": outputs, "indices": indices, "memory_bank": memory_bank,
            "W": W, "b": b, "neg_idxs": neg_idxs}


def reference(outputs, indices, memory_bank, W, b, neg_idxs):
    emb = outputs.astype(jnp.float32) @ W + b
    emb = l2_normalize(emb)
    # index_select under torch.no_grad() -> gather + stop_gradient
    pos_mem = jax.lax.stop_gradient(jnp.take(memory_bank, indices, axis=0))
    pos_inner = jnp.sum(emb * pos_mem, axis=-1)
    neg_mem = jax.lax.stop_gradient(
        jnp.take(memory_bank, neg_idxs.reshape(-1), axis=0).reshape(B, M, EMB))
    neg_inner = jnp.sum(emb[:, None, :] * neg_mem, axis=-1)
    u_pos = pos_inner / TAU
    u_neg = neg_inner / TAU
    # dynamic mode
    log_C_hat = jax.scipy.special.logsumexp(u_neg, axis=1)
    log_data_denom = jax.scipy.special.logsumexp(
        jnp.stack([u_pos, log_C_hat], axis=0), axis=0)
    log_data_prob = u_pos - log_data_denom
    log_noise_denom = jax.scipy.special.logsumexp(
        jnp.stack([u_neg, jnp.broadcast_to(log_C_hat[:, None], u_neg.shape)], axis=0),
        axis=0)
    log_noise_prob = log_C_hat[:, None] - log_noise_denom
    data_loss = -(jnp.sum(log_data_prob) / B)
    noise_loss = -(jnp.sum(log_noise_prob) / B)
    loss = data_loss + noise_loss
    updated = l2_normalize(GAMMA * pos_mem + (1.0 - GAMMA) * emb)
    return (loss,
            jax.lax.stop_gradient(updated),
            jax.lax.stop_gradient(data_loss),
            jax.lax.stop_gradient(noise_loss))

if __name__ == "__main__":
    import jax
    _d = setup_inputs()
    print(jax.jit(kernel)(*tuple(_d.values())))

</pallas_src>

<mosaic_0001>
#map = affine_map<(d0, d1) -> (0, 0)>
#map1 = affine_map<(d0, d1) -> (0)>
module attributes {stable_mosaic.version = 14 : i64} {
  func.func @_sc_body(%arg0: i32, %arg1: i32, %arg2: memref<1000000x128xf32, #tpu.memory_space<hbm>>, %arg3: memref<1024x128xf32, #tpu.memory_space<hbm>>, %arg4: memref<1024xi32, #tpu.memory_space<hbm>>, %arg5: memref<8192x128xi32, #tpu.memory_space<hbm>>, %arg6: memref<1024x1024xf32, #tpu.memory_space<hbm>>, %arg7: memref<1024x128xf32, #tpu.memory_space<hbm>>, %arg8: memref<128xi32, #tpu.memory_space<vmem>>, %arg9: memref<128xi32, #tpu.memory_space<vmem>>, %arg10: memref<128x128xf32, #tpu.memory_space<vmem>>, %arg11: memref<128x128xf32, #tpu.memory_space<vmem>>, %arg12: memref<32x128xf32, #tpu.memory_space<vmem>>, %arg13: memref<1024xf32, #tpu.memory_space<vmem>>, %arg14: memref<2176xf32, #tpu.memory_space<vmem>>, %arg15: memref<32xi32, #tpu.memory_space<vmem>>, %arg16: memref<32x128xf32, #tpu.memory_space<vmem>>, %arg17: memref<!tpu.dma_semaphore, #tpu.memory_space<semaphore_mem>>, %arg18: memref<!tpu.dma_semaphore, #tpu.memory_space<semaphore_mem>>, %arg19: memref<!tpu.dma_semaphore, #tpu.memory_space<semaphore_mem>>, %arg20: memref<!tpu.dma_semaphore, #tpu.memory_space<semaphore_mem>>, %arg21: memref<!tpu.dma_semaphore, #tpu.memory_space<semaphore_mem>>, %arg22: memref<!tpu.dma_semaphore, #tpu.memory_space<semaphore_mem>>) attributes {dimension_semantics = [#tpu.dimension_semantics<core_parallel>, #tpu.dimension_semantics<subcore_parallel>], iteration_bounds = array<i64: 2, 16>, scalar_prefetch = 0 : i64, scratch_operands = 15 : i64, tpu.core_type = #tpu.core_type<sc_vector_subcore>, window_params = [{transform_indices = #map}, {transform_indices = #map}, {transform_indices = #map1}, {transform_indices = #map}, {transform_indices = #map}, {transform_indices = #map}]} {
    %mul3A = arith.constant 2 : i32
    %mul3A_0 = arith.muli %arg1, %mul3A : i32
    %add3A = arith.addi %mul3A_0, %arg0 : i32
    %mul3A_1 = arith.constant 256 : i32
    %mul3A_2 = arith.muli %add3A, %mul3A_1 : i32
    %mul3A_3 = arith.constant 32 : i32
    %mul3A_4 = arith.muli %add3A, %mul3A_3 : i32
    "tpu.region"() ({
      %run_scoped3A = tpu.sem_alloc : memref<!tpu.dma_semaphore, #tpu.memory_space<semaphore_mem>>
      %dma_start3A_53 = arith.constant 0 : i32
      %dma_start3A_54 = tpu.memref_slice %arg3[%mul3A_4, %dma_start3A_53] : memref<1024x128xf32, #tpu.memory_space<hbm>> -> memref<32x128xf32, #tpu.memory_space<hbm>>
      %dma_start3A_55 = arith.constant 0 : i32
      %dma_start3A_56 = tpu.memref_slice %arg3[%mul3A_4, %dma_start3A_55] : memref<1024x128xf32, #tpu.memory_space<hbm>> -> memref<32x128xf32, #tpu.memory_space<hbm>>
      tpu.enqueue_dma source(%dma_start3A_56 : memref<32x128xf32, #tpu.memory_space<hbm>>) target(%arg12 : memref<32x128xf32, #tpu.memory_space<vmem>>) target_semaphore(%run_scoped3A : memref<!tpu.dma_semaphore, #tpu.memory_space<semaphore_mem>>)
      %dma_wait3A_57 = arith.constant 0 : i32
      %dma_wait3A_58 = tpu.memref_slice %arg3[%mul3A_4, %dma_wait3A_57] : memref<1024x128xf32, #tpu.memory_space<hbm>> -> memref<32x128xf32, #tpu.memory_space<hbm>>
      %dma_wait3A_59 = arith.constant 0 : i32
      %dma_wait3A_60 = tpu.memref_slice %arg3[%mul3A_4, %dma_wait3A_59] : memref<1024x128xf32, #tpu.memory_space<hbm>> -> memref<32x128xf32, #tpu.memory_space<hbm>>
      tpu.wait_dma2 semaphore(%run_scoped3A : memref<!tpu.dma_semaphore, #tpu.memory_space<semaphore_mem>>) src(%dma_wait3A_60 : memref<32x128xf32, #tpu.memory_space<hbm>>) dst(%arg12 : memref<32x128xf32, #tpu.memory_space<vmem>>)
      tpu.yield
    }) : () -> ()
    %add3A_5 = arith.constant 0 : i32
    %add3A_6 = arith.addi %mul3A_2, %add3A_5 : i32
    %dma_start3A = arith.constant 0 : i32
    %dma_start3A_7 = tpu.memref_slice %arg5[%add3A_6, %dma_start3A] : memref<8192x128xi32, #tpu.memory_space<hbm>> -> memref<1x128xi32, #tpu.memory_space<hbm>>
    %dma_start3A_8 = tpu.memref_squeeze %dma_start3A_7 : memref<1x128xi32, #tpu.memory_space<hbm>> -> memref<128xi32, #tpu.memory_space<hbm>>
    %dma_start3A_9 = arith.constant 0 : i32
    %dma_start3A_10 = tpu.memref_slice %arg5[%add3A_6, %dma_start3A_9] : memref<8192x128xi32, #tpu.memory_space<hbm>> -> memref<1x128xi32, #tpu.memory_space<hbm>>
    %dma_start3A_11 = tpu.memref_squeeze %dma_start3A_10 : memref<1x128xi32, #tpu.memory_space<hbm>> -> memref<128xi32, #tpu.memory_space<hbm>>
    tpu.enqueue_dma source(%dma_start3A_11 : memref<128xi32, #tpu.memory_space<hbm>>) target(%arg8 : memref<128xi32, #tpu.memory_space<vmem>>) target_semaphore(%arg17 : memref<!tpu.dma_semaphore, #tpu.memory_space<semaphore_mem>>)
    %add3A_12 = arith.constant 1 : i32
    %add3A_13 = arith.addi %mul3A_2, %add3A_12 : i32
    %dma_start3A_14 = arith.constant 0 : i32
    %dma_start3A_15 = tpu.memref_slice %arg5[%add3A_13, %dma_start3A_14] : memref<8192x128xi32, #tpu.memory_space<hbm>> -> memref<1x128xi32, #tpu.memory_space<hbm>>
    %dma_start3A_16 = tpu.memref_squeeze %dma_start3A_15 : memref<1x128xi32, #tpu.memory_space<hbm>> -> memref<128xi32, #tpu.memory_space<hbm>>
    %dma_start3A_17 = arith.constant 0 : i32
    %dma_start3A_18 = tpu.memref_slice %arg5[%add3A_13, %dma_start3A_17] : memref<8192x128xi32, #tpu.memory_space<hbm>> -> memref<1x128xi32, #tpu.memory_space<hbm>>
    %dma_start3A_19 = tpu.memref_squeeze %dma_start3A_18 : memref<1x128xi32, #tpu.memory_space<hbm>> -> memref<128xi32, #tpu.memory_space<hbm>>
    tpu.enqueue_dma source(%dma_start3A_19 : memref<128xi32, #tpu.memory_space<hbm>>) target(%arg9 : memref<128xi32, #tpu.memory_space<vmem>>) target_semaphore(%arg18 : memref<!tpu.dma_semaphore, #tpu.memory_space<semaphore_mem>>)
    %add3A_20 = arith.constant 0 : i32
    %add3A_21 = arith.addi %mul3A_2, %add3A_20 : i32
    %dma_wait3A = arith.constant 0 : i32
    %dma_wait3A_22 = tpu.memref_slice %arg5[%add3A_21, %dma_wait3A] : memref<8192x128xi32, #tpu.memory_space<hbm>> -> memref<1x128xi32, #tpu.memory_space<hbm>>
    %dma_wait3A_23 = tpu.memref_squeeze %dma_wait3A_22 : memref<1x128xi32, #tpu.memory_space<hbm>> -> memref<128xi32, #tpu.memory_space<hbm>>
    %dma_wait3A_24 = arith.constant 0 : i32
    %dma_wait3A_25 = tpu.memref_slice %arg5[%add3A_21, %dma_wait3A_24] : memref<8192x128xi32, #tpu.memory_space<hbm>> -> memref<1x128xi32, #tpu.memory_space<hbm>>
    %dma_wait3A_26 = tpu.memref_squeeze %dma_wait3A_25 : memref<1x128xi32, #tpu.memory_space<hbm>> -> memref<128xi32, #tpu.memory_space<hbm>>
    tpu.wait_dma2 semaphore(%arg17 : memref<!tpu.dma_semaphore, #tpu.memory_space<semaphore_mem>>) src(%dma_wait3A_26 : memref<128xi32, #tpu.memory_space<hbm>>) dst(%arg8 : memref<128xi32, #tpu.memory_space<vmem>>)
    %dma_start3A_27 = arith.constant 0 : i32
    %dma_start3A_28 = arith.constant 0 : i32
    %dma_start3A_29 = tpu.memref_slice %arg2[%dma_start3A_27, %dma_start3A_28] : memref<1000000x128xf32, #tpu.memory_space<hbm>> -> memref<1000000x128xf32, #tpu.memory_space<hbm>>
    tpu.enqueue_indirect_dma source(%dma_start3A_29 : memref<1000000x128xf32, #tpu.memory_space<hbm>>) target(%arg10 : memref<128x128xf32, #tpu.memory_space<vmem>>) offsets(%arg8 : memref<128xi32, #tpu.memory_space<vmem>>) semaphore(%arg19 : memref<!tpu.dma_semaphore, #tpu.memory_space<semaphore_mem>>)
    "tpu.region"() ({
      %run_scoped3A = tpu.sem_alloc : memref<!tpu.dma_semaphore, #tpu.memory_space<semaphore_mem>>
      %dma_start3A_53 = tpu.memref_slice %arg4[%mul3A_4] : memref<1024xi32, #tpu.memory_space<hbm>> -> memref<32xi32, #tpu.memory_space<hbm>>
      %dma_start3A_54 = tpu.memref_slice %arg4[%mul3A_4] : memref<1024xi32, #tpu.memory_space<hbm>> -> memref<32xi32, #tpu.memory_space<hbm>>
      tpu.enqueue_dma source(%dma_start3A_54 : memref<32xi32, #tpu.memory_space<hbm>>) target(%arg15 : memref<32xi32, #tpu.memory_space<vmem>>) target_semaphore(%run_scoped3A : memref<!tpu.dma_semaphore, #tpu.memory_space<semaphore_mem>>)
      %dma_wait3A_55 = tpu.memref_slice %arg4[%mul3A_4] : memref<1024xi32, #tpu.memory_space<hbm>> -> memref<32xi32, #tpu.memory_space<hbm>>
      %dma_wait3A_56 = tpu.memref_slice %arg4[%mul3A_4] : memref<1024xi32, #tpu.memory_space<hbm>> -> memref<32xi32, #tpu.memory_space<hbm>>
      tpu.wait_dma2 semaphore(%run_scoped3A : memref<!tpu.dma_semaphore, #tpu.memory_space<semaphore_mem>>) src(%dma_wait3A_56 : memref<32xi32, #tpu.memory_space<hbm>>) dst(%arg15 : memref<32xi32, #tpu.memory_space<vmem>>)
      tpu.yield
    }) : () -> ()
    %dma_start3A_30 = arith.constant 0 : i32
    %dma_start3A_31 = arith.constant 0 : i32
    %dma_start3A_32 = tpu.memref_slice %arg2[%dma_start3A_30, %dma_start3A_31] : memref<1000000x128xf32, #tpu.memory_space<hbm>> -> memref<1000000x128xf32, #tpu.memory_space<hbm>>
    tpu.enqueue_indirect_dma source(%dma_start3A_32 : memref<1000000x128xf32, #tpu.memory_space<hbm>>) target(%arg16 : memref<32x128xf32, #tpu.memory_space<vmem>>) offsets(%arg15 : memref<32xi32, #tpu.memory_space<vmem>>) semaphore(%arg22 : memref<!tpu.dma_semaphore, #tpu.memory_space<semaphore_mem>>)
    %iota3A = tpu.iota {dimensions = array<i32: 0>} : vector<16xi32>
    %mul3A_33 = arith.constant 17 : i32
    %mul3A_34 = vector.broadcast %mul3A_33 : i32 to vector<16xi32>
    %mul3A_35 = arith.muli %iota3A, %mul3A_34 : vector<16xi32>
    %scan3A = arith.constant 0 : i32
    %scan3A_36 = arith.constant 0 : i32
    %scan3A_37 = arith.constant 128 : i32
    %scan3A_38 = arith.addi %scan3A_36, %scan3A_37 : i32
    %scan3A_39 = arith.constant 1 : i32
    scf.for %scan3A_53 = %scan3A_36 to %scan3A_38 step %scan3A_39  : i32 {
      %mul3A_54 = arith.constant 2 : i32
      %mul3A_55 = arith.muli %mul3A_54, %scan3A_53 : i32
      %add3A_56 = arith.constant 0 : i32
      %add3A_57 = arith.addi %mul3A_55, %add3A_56 : i32
      %add3A_58 = arith.constant 2 : i32
      %add3A_59 = arith.addi %add3A_57, %add3A_58 : i32
      %sub3A_60 = arith.constant 1 : i32
      %sub3A_61 = arith.subi %add3A_59, %sub3A_60 : i32
      %lt3A = arith.constant 256 : i32
      %lt3A_62 = arith.cmpi slt, %sub3A_61, %lt3A : i32
      %convert_element_type3A = arith.extui %lt3A_62 : i1 to i32
      %cond3A = arith.constant 0 : i32
      %cond3A_63 = arith.cmpi ne, %convert_element_type3A, %cond3A : i32
      scf.if %cond3A_63 {
        %add3A_252 = arith.addi %mul3A_2, %add3A_57 : i32
        %add3A_253 = arith.constant 2 : i32
        %add3A_254 = arith.addi %add3A_252, %add3A_253 : i32
        %sub3A_255 = arith.constant 1 : i32
        %sub3A_256 = arith.subi %add3A_254, %sub3A_255 : i32
        %dma_wait3A_257 = arith.constant 0 : i32
        %dma_wait3A_258 = tpu.memref_slice %arg5[%sub3A_256, %dma_wait3A_257] : memref<8192x128xi32, #tpu.memory_space<hbm>> -> memref<1x128xi32, #tpu.memory_space<hbm>>
        %dma_wait3A_259 = tpu.memref_squeeze %dma_wait3A_258 : memref<1x128xi32, #tpu.memory_space<hbm>> -> memref<128xi32, #tpu.memory_space<hbm>>
        %dma_wait3A_260 = arith.constant 0 : i32
        %dma_wait3A_261 = tpu.memref_slice %arg5[%sub3A_256, %dma_wait3A_260] : memref<8192x128xi32, #tpu.memory_space<hbm>> -> memref<1x128xi32, #tpu.memory_space<hbm>>
        %dma_wait3A_262 = tpu.memref_squeeze %dma_wait3A_261 : memref<1x128xi32, #tpu.memory_space<hbm>> -> memref<128xi32, #tpu.memory_space<hbm>>
        tpu.wait_dma2 semaphore(%arg18 : memref<!tpu.dma_semaphore, #tpu.memory_space<semaphore_mem>>) src(%dma_wait3A_262 : memref<128xi32, #tpu.memory_space<hbm>>) dst(%arg9 : memref<128xi32, #tpu.memory_space<vmem>>)
        %dma_start3A_263 = arith.constant 0 : i32
        %dma_start3A_264 = arith.constant 0 : i32
        %dma_start3A_265 = tpu.memref_slice %arg2[%dma_start3A_263, %dma_start3A_264] : memref<1000000x128xf32, #tpu.memory_space<hbm>> -> memref<1000000x128xf32, #tpu.memory_space<hbm>>
        tpu.enqueue_indirect_dma source(%dma_start3A_265 : memref<1000000x128xf32, #tpu.memory_space<hbm>>) target(%arg11 : memref<128x128xf32, #tpu.memory_space<vmem>>) offsets(%arg9 : memref<128xi32, #tpu.memory_space<vmem>>) semaphore(%arg20 : memref<!tpu.dma_semaphore, #tpu.memory_space<semaphore_mem>>)
      } else {
      }
      %dma_wait3A_64 = arith.constant 0 : i32
      %dma_wait3A_65 = arith.constant 0 : i32
      %dma_wait3A_66 = tpu.memref_slice %arg2[%dma_wait3A_64, %dma_wait3A_65] : memref<1000000x128xf32, #tpu.memory_space<hbm>> -> memref<1000000x128xf32, #tpu.memory_space<hbm>>
      tpu.wait_indirect_dma semaphore(%arg19 : memref<!tpu.dma_semaphore, #tpu.memory_space<semaphore_mem>>) src(%dma_wait3A_66 : memref<1000000x128xf32, #tpu.memory_space<hbm>>) dst(%arg10 : memref<128x128xf32, #tpu.memory_space<vmem>>)
      %add3A_67 = arith.constant 2 : i32
      %add3A_68 = arith.addi %add3A_57, %add3A_67 : i32
      %lt3A_69 = arith.constant 256 : i32
      %lt3A_70 = arith.cmpi slt, %add3A_68, %lt3A_69 : i32
      %convert_element_type3A_71 = arith.extui %lt3A_70 : i1 to i32
      %cond3A_72 = arith.constant 0 : i32
      %cond3A_73 = arith.cmpi ne, %convert_element_type3A_71, %cond3A_72 : i32
      scf.if %cond3A_73 {
        %add3A_252 = arith.addi %mul3A_2, %add3A_57 : i32
        %add3A_253 = arith.constant 2 : i32
        %add3A_254 = arith.addi %add3A_252, %add3A_253 : i32
        %dma_start3A_255 = arith.constant 0 : i32
        %dma_start3A_256 = tpu.memref_slice %arg5[%add3A_254, %dma_start3A_255] : memref<8192x128xi32, #tpu.memory_space<hbm>> -> memref<1x128xi32, #tpu.memory_space<hbm>>
        %dma_start3A_257 = tpu.memref_squeeze %dma_start3A_256 : memref<1x128xi32, #tpu.memory_space<hbm>> -> memref<128xi32, #tpu.memory_space<hbm>>
        %dma_start3A_258 = arith.constant 0 : i32
        %dma_start3A_259 = tpu.memref_slice %arg5[%add3A_254, %dma_start3A_258] : memref<8192x128xi32, #tpu.memory_space<hbm>> -> memref<1x128xi32, #tpu.memory_space<hbm>>
        %dma_start3A_260 = tpu.memref_squeeze %dma_start3A_259 : memref<1x128xi32, #tpu.memory_space<hbm>> -> memref<128xi32, #tpu.memory_space<hbm>>
        tpu.enqueue_dma source(%dma_start3A_260 : memref<128xi32, #tpu.memory_space<hbm>>) target(%arg8 : memref<128xi32, #tpu.memory_space<vmem>>) target_semaphore(%arg17 : memref<!tpu.dma_semaphore, #tpu.memory_space<semaphore_mem>>)
      } else {
      }
      %jit3A = arith.constant 8 : i32
      %div3A = arith.divsi %add3A_57, %jit3A : i32
      %sign3A = arith.constant 0 : i32
      %sign3A_74 = arith.cmpi sgt, %add3A_57, %sign3A : i32
      %sign3A_75 = arith.extui %sign3A_74 : i1 to i32
      %sign3A_76 = arith.constant 0 : i32
      %sign3A_77 = arith.cmpi slt, %add3A_57, %sign3A_76 : i32
      %sign3A_78 = arith.extui %sign3A_77 : i1 to i32
      %sign3A_79 = arith.subi %sign3A_75, %sign3A_78 : i32
      %sign3A_80 = arith.constant 0 : i32
      %sign3A_81 = arith.cmpi sgt, %jit3A, %sign3A_80 : i32
      %sign3A_82 = arith.extui %sign3A_81 : i1 to i32
      %sign3A_83 = arith.constant 0 : i32
      %sign3A_84 = arith.cmpi slt, %jit3A, %sign3A_83 : i32
      %sign3A_85 = arith.extui %sign3A_84 : i1 to i32
      %sign3A_86 = arith.subi %sign3A_82, %sign3A_85 : i32
      %ne3A = arith.cmpi ne, %sign3A_79, %sign3A_86 : i32
      %rem3A = arith.remsi %add3A_57, %jit3A : i32
      %ne3A_87 = arith.constant 0 : i32
      %ne3A_88 = arith.cmpi ne, %rem3A, %ne3A_87 : i32
      %and3A = arith.andi %ne3A, %ne3A_88 : i1
      %sub3A_89 = arith.constant 1 : i32
      %sub3A_90 = arith.subi %div3A, %sub3A_89 : i32
      %select_n3A = arith.select %and3A, %sub3A_90, %div3A : i32
      %jit3A_91 = arith.constant 8 : i32
      %eq3A = arith.constant 0 : i32
      %eq3A_92 = arith.cmpi eq, %jit3A_91, %eq3A : i32
      %jit3A_93 = arith.constant 1 : i32
      %select_n3A_94 = arith.select %eq3A_92, %jit3A_93, %jit3A_91 : i32
      %rem3A_95 = arith.remsi %add3A_57, %select_n3A_94 : i32
      %ne3A_96 = arith.constant 0 : i32
      %ne3A_97 = arith.cmpi ne, %rem3A_95, %ne3A_96 : i32
      %lt3A_98 = arith.constant 0 : i32
      %lt3A_99 = arith.cmpi slt, %rem3A_95, %lt3A_98 : i32
      %lt3A_100 = arith.constant 0 : i32
      %lt3A_101 = arith.cmpi slt, %select_n3A_94, %lt3A_100 : i32
      %ne3A_102 = arith.xori %lt3A_99, %lt3A_101 : i1
      %and3A_103 = arith.andi %ne3A_102, %ne3A_97 : i1
      %add3A_104 = arith.addi %rem3A_95, %select_n3A_94 : i32
      %select_n3A_105 = arith.select %and3A_103, %add3A_104, %rem3A_95 : i32
      %eq3A_106 = arith.constant 0 : i32
      %eq3A_107 = arith.cmpi eq, %select_n3A_105, %eq3A_106 : i32
      %gt3A = arith.constant 0 : i32
      %gt3A_108 = arith.cmpi sgt, %select_n3A, %gt3A : i32
      %and3A_109 = arith.andi %eq3A_107, %gt3A_108 : i1
      %convert_element_type3A_110 = arith.extui %and3A_109 : i1 to i32
      %cond3A_111 = arith.constant 0 : i32
      %cond3A_112 = arith.cmpi ne, %convert_element_type3A_110, %cond3A_111 : i32
      scf.if %cond3A_112 {
        %add3A_252 = arith.addi %mul3A_4, %select_n3A : i32
        %sub3A_253 = arith.constant 1 : i32
        %sub3A_254 = arith.subi %add3A_252, %sub3A_253 : i32
        %dma_wait3A_255 = arith.constant 0 : i32
        %dma_wait3A_256 = tpu.memref_slice %arg6[%sub3A_254, %dma_wait3A_255] : memref<1024x1024xf32, #tpu.memory_space<hbm>> -> memref<1x1024xf32, #tpu.memory_space<hbm>>
        %dma_wait3A_257 = tpu.memref_squeeze %dma_wait3A_256 : memref<1x1024xf32, #tpu.memory_space<hbm>> -> memref<1024xf32, #tpu.memory_space<hbm>>
        %dma_wait3A_258 = arith.constant 0 : i32
        %dma_wait3A_259 = tpu.memref_slice %arg6[%sub3A_254, %dma_wait3A_258] : memref<1024x1024xf32, #tpu.memory_space<hbm>> -> memref<1x1024xf32, #tpu.memory_space<hbm>>
        %dma_wait3A_260 = tpu.memref_squeeze %dma_wait3A_259 : memref<1x1024xf32, #tpu.memory_space<hbm>> -> memref<1024xf32, #tpu.memory_space<hbm>>
        tpu.wait_dma2 semaphore(%arg21 : memref<!tpu.dma_semaphore, #tpu.memory_space<semaphore_mem>>) src(%arg13 : memref<1024xf32, #tpu.memory_space<vmem>>) dst(%dma_wait3A_260 : memref<1024xf32, #tpu.memory_space<hbm>>)
      } else {
      }
      %get3A = arith.index_cast %select_n3A : i32 to index
      %get3A_113 = arith.constant 0 : index
      %get3A_114 = tpu.vector_load %arg12[%get3A, %get3A_113] {strides = array<i32>} : memref<32x128xf32, #tpu.memory_space<vmem>>, vector<16xf32>,
      %get3A_115 = arith.index_cast %select_n3A : i32 to index
      %get3A_116 = arith.constant 16 : index
      %get3A_117 = tpu.vector_load %arg12[%get3A_115, %get3A_116] {strides = array<i32>} : memref<32x128xf32, #tpu.memory_space<vmem>>, vector<16xf32>,
      %get3A_118 = arith.index_cast %select_n3A : i32 to index
      %get3A_119 = arith.constant 32 : index
      %get3A_120 = tpu.vector_load %arg12[%get3A_118, %get3A_119] {strides = array<i32>} : memref<32x128xf32, #tpu.memory_space<vmem>>, vector<16xf32>,
      %get3A_121 = arith.index_cast %select_n3A : i32 to index
      %get3A_122 = arith.constant 48 : index
      %get3A_123 = tpu.vector_load %arg12[%get3A_121, %get3A_122] {strides = array<i32>} : memref<32x128xf32, #tpu.memory_space<vmem>>, vector<16xf32>,
      %get3A_124 = arith.index_cast %select_n3A : i32 to index
      %get3A_125 = arith.constant 64 : index
      %get3A_126 = tpu.vector_load %arg12[%get3A_124, %get3A_125] {strides = array<i32>} : memref<32x128xf32, #tpu.memory_space<vmem>>, vector<16xf32>,
      %get3A_127 = arith.index_cast %select_n3A : i32 to index
      %get3A_128 = arith.constant 80 : index
      %get3A_129 = tpu.vector_load %arg12[%get3A_127, %get3A_128] {strides = array<i32>} : memref<32x128xf32, #tpu.memory_space<vmem>>, vector<16xf32>,
      %get3A_130 = arith.index_cast %select_n3A : i32 to index
      %get3A_131 = arith.constant 96 : index
      %get3A_132 = tpu.vector_load %arg12[%get3A_130, %get3A_131] {strides = array<i32>} : memref<32x128xf32, #tpu.memory_space<vmem>>, vector<16xf32>,
      %get3A_133 = arith.index_cast %select_n3A : i32 to index
      %get3A_134 = arith.constant 112 : index
      %get3A_135 = tpu.vector_load %arg12[%get3A_133, %get3A_134] {strides = array<i32>} : memref<32x128xf32, #tpu.memory_space<vmem>>, vector<16xf32>,
      %parallel_loop3A = arith.constant 0 : i32
      %parallel_loop3A_136 = arith.constant 128 : i32
      %parallel_loop3A_137 = arith.constant 1 : i32
      scf.for %parallel_loop3A_252 = %parallel_loop3A to %parallel_loop3A_136 step %parallel_loop3A_137  : i32 {
        %parallel_loop3A_253 = arith.index_cast %parallel_loop3A_252 : i32 to index
        %parallel_loop3A_254 = arith.constant 0 : index
        %parallel_loop3A_255 = tpu.vector_load %arg10[%parallel_loop3A_253, %parallel_loop3A_254] {strides = array<i32>} : memref<128x128xf32, #tpu.memory_space<vmem>>, vector<16xf32>,
        %parallel_loop3A_256 = arith.mulf %parallel_loop3A_255, %get3A_114 : vector<16xf32>
        %parallel_loop3A_257 = arith.index_cast %parallel_loop3A_252 : i32 to index
        %parallel_loop3A_258 = arith.constant 16 : index
        %parallel_loop3A_259 = tpu.vector_load %arg10[%parallel_loop3A_257, %parallel_loop3A_258] {strides = array<i32>} : memref<128x128xf32, #tpu.memory_space<vmem>>, vector<16xf32>,
        %parallel_loop3A_260 = arith.mulf %parallel_loop3A_259, %get3A_117 : vector<16xf32>
        %parallel_loop3A_261 = arith.index_cast %parallel_loop3A_252 : i32 to index
        %parallel_loop3A_262 = arith.constant 32 : index
        %parallel_loop3A_263 = tpu.vector_load %arg10[%parallel_loop3A_261, %parallel_loop3A_262] {strides = array<i32>} : memref<128x128xf32, #tpu.memory_space<vmem>>, vector<16xf32>,
        %parallel_loop3A_264 = arith.mulf %parallel_loop3A_263, %get3A_120 : vector<16xf32>
        %parallel_loop3A_265 = arith.index_cast %parallel_loop3A_252 : i32 to index
        %parallel_loop3A_266 = arith.constant 48 : index
        %parallel_loop3A_267 = tpu.vector_load %arg10[%parallel_loop3A_265, %parallel_loop3A_266] {strides = array<i32>} : memref<128x128xf32, #tpu.memory_space<vmem>>, vector<16xf32>,
        %parallel_loop3A_268 = arith.mulf %parallel_loop3A_267, %get3A_123 : vector<16xf32>
        %parallel_loop3A_269 = arith.index_cast %parallel_loop3A_252 : i32 to index
        %parallel_loop3A_270 = arith.constant 64 : index
        %parallel_loop3A_271 = tpu.vector_load %arg10[%parallel_loop3A_269, %parallel_loop3A_270] {strides = array<i32>} : memref<128x128xf32, #tpu.memory_space<vmem>>, vector<16xf32>,
        %parallel_loop3A_272 = arith.mulf %parallel_loop3A_271, %get3A_126 : vector<16xf32>
        %parallel_loop3A_273 = arith.index_cast %parallel_loop3A_252 : i32 to index
        %parallel_loop3A_274 = arith.constant 80 : index
        %parallel_loop3A_275 = tpu.vector_load %arg10[%parallel_loop3A_273, %parallel_loop3A_274] {strides = array<i32>} : memref<128x128xf32, #tpu.memory_space<vmem>>, vector<16xf32>,
        %parallel_loop3A_276 = arith.mulf %parallel_loop3A_275, %get3A_129 : vector<16xf32>
        %parallel_loop3A_277 = arith.index_cast %parallel_loop3A_252 : i32 to index
        %parallel_loop3A_278 = arith.constant 96 : index
        %parallel_loop3A_279 = tpu.vector_load %arg10[%parallel_loop3A_277, %parallel_loop3A_278] {strides = array<i32>} : memref<128x128xf32, #tpu.memory_space<vmem>>, vector<16xf32>,
        %parallel_loop3A_280 = arith.mulf %parallel_loop3A_279, %get3A_132 : vector<16xf32>
        %parallel_loop3A_281 = arith.index_cast %parallel_loop3A_252 : i32 to index
        %parallel_loop3A_282 = arith.constant 112 : index
        %parallel_loop3A_283 = tpu.vector_load %arg10[%parallel_loop3A_281, %parallel_loop3A_282] {strides = array<i32>} : memref<128x128xf32, #tpu.memory_space<vmem>>, vector<16xf32>,
        %parallel_loop3A_284 = arith.mulf %parallel_loop3A_283, %get3A_135 : vector<16xf32>
        %parallel_loop3A_285 = arith.addf %parallel_loop3A_256, %parallel_loop3A_260 : vector<16xf32>
        %parallel_loop3A_286 = arith.addf %parallel_loop3A_264, %parallel_loop3A_268 : vector<16xf32>
        %parallel_loop3A_287 = arith.addf %parallel_loop3A_285, %parallel_loop3A_286 : vector<16xf32>
        %parallel_loop3A_288 = arith.addf %parallel_loop3A_272, %parallel_loop3A_276 : vector<16xf32>
        %parallel_loop3A_289 = arith.addf %parallel_loop3A_280, %parallel_loop3A_284 : vector<16xf32>
        %parallel_loop3A_290 = arith.addf %parallel_loop3A_288, %parallel_loop3A_289 : vector<16xf32>
        %parallel_loop3A_291 = arith.addf %parallel_loop3A_287, %parallel_loop3A_290 : vector<16xf32>
        %parallel_loop3A_292 = arith.constant 17 : i32
        %parallel_loop3A_293 = arith.muli %parallel_loop3A_252, %parallel_loop3A_292 : i32
        %parallel_loop3A_294 = arith.index_cast %parallel_loop3A_293 : i32 to index
        %parallel_loop3A_295 = tpu.vector_load %arg14[%parallel_loop3A_294] {strides = array<i32>} : memref<2176xf32, #tpu.memory_space<vmem>>, vector<16xf32>,
        tpu.vector_store %arg14[%parallel_loop3A_294], %parallel_loop3A_291 {strides = array<i32>} : memref<2176xf32, #tpu.memory_space<vmem>>, vector<16xf32>,
      } {sc.loop_unroll_factor = 8 : i64, sc.parallel_access}
      %parallel_loop3A_138 = arith.constant 0 : i32
      %parallel_loop3A_139 = arith.constant 8 : i32
      %parallel_loop3A_140 = arith.constant 1 : i32
      scf.for %parallel_loop3A_252 = %parallel_loop3A_138 to %parallel_loop3A_139 step %parallel_loop3A_140  : i32 {
        %parallel_loop3A_253 = arith.constant 272 : i32
        %parallel_loop3A_254 = arith.muli %parallel_loop3A_252, %parallel_loop3A_253 : i32
        %parallel_loop3A_255 = vector.broadcast %parallel_loop3A_254 : i32 to vector<16xi32>
        %parallel_loop3A_256 = arith.addi %mul3A_35, %parallel_loop3A_255 : vector<16xi32>
        %parallel_loop3A_257 = arith.constant 0 : i32
        %parallel_loop3A_258 = vector.broadcast %parallel_loop3A_257 : i32 to vector<16xi32>
        %parallel_loop3A_259 = arith.addi %parallel_loop3A_256, %parallel_loop3A_258 : vector<16xi32>
        %parallel_loop3A_260 = tpu.vector_load_idx %arg14[%parallel_loop3A_259] : memref<2176xf32, #tpu.memory_space<vmem>>[vector<16xi32>], vector<16xf32>,
        %parallel_loop3A_261 = arith.constant 1 : i32
        %parallel_loop3A_262 = vector.broadcast %parallel_loop3A_261 : i32 to vector<16xi32>
        %parallel_loop3A_263 = arith.addi %parallel_loop3A_256, %parallel_loop3A_262 : vector<16xi32>
        %parallel_loop3A_264 = tpu.vector_load_idx %arg14[%parallel_loop3A_263] : memref<2176xf32, #tpu.memory_space<vmem>>[vector<16xi32>], vector<16xf32>,
        %parallel_loop3A_265 = arith.constant 2 : i32
        %parallel_loop3A_266 = vector.broadcast %parallel_loop3A_265 : i32 to vector<16xi32>
        %parallel_loop3A_267 = arith.addi %parallel_loop3A_256, %parallel_loop3A_266 : vector<16xi32>
        %parallel_loop3A_268 = tpu.vector_load_idx %arg14[%parallel_loop3A_267] : memref<2176xf32, #tpu.memory_space<vmem>>[vector<16xi32>], vector<16xf32>,
        %parallel_loop3A_269 = arith.constant 3 : i32
        %parallel_loop3A_270 = vector.broadcast %parallel_loop3A_269 : i32 to vector<16xi32>
        %parallel_loop3A_271 = arith.addi %parallel_loop3A_256, %parallel_loop3A_270 : vector<16xi32>
        %parallel_loop3A_272 = tpu.vector_load_idx %arg14[%parallel_loop3A_271] : memref<2176xf32, #tpu.memory_space<vmem>>[vector<16xi32>], vector<16xf32>,
        %parallel_loop3A_273 = arith.constant 4 : i32
        %parallel_loop3A_274 = vector.broadcast %parallel_loop3A_273 : i32 to vector<16xi32>
        %parallel_loop3A_275 = arith.addi %parallel_loop3A_256, %parallel_loop3A_274 : vector<16xi32>
        %parallel_loop3A_276 = tpu.vector_load_idx %arg14[%parallel_loop3A_275] : memref<2176xf32, #tpu.memory_space<vmem>>[vector<16xi32>], vector<16xf32>,
        %parallel_loop3A_277 = arith.constant 5 : i32
        %parallel_loop3A_278 = vector.broadcast %parallel_loop3A_277 : i32 to vector<16xi32>
        %parallel_loop3A_279 = arith.addi %parallel_loop3A_256, %parallel_loop3A_278 : vector<16xi32>
        %parallel_loop3A_280 = tpu.vector_load_idx %arg14[%parallel_loop3A_279] : memref<2176xf32, #tpu.memory_space<vmem>>[vector<16xi32>], vector<16xf32>,
        %parallel_loop3A_281 = arith.constant 6 : i32
        %parallel_loop3A_282 = vector.broadcast %parallel_loop3A_281 : i32 to vector<16xi32>
        %parallel_loop3A_283 = arith.addi %parallel_loop3A_256, %parallel_loop3A_282 : vector<16xi32>
        %parallel_loop3A_284 = tpu.vector_load_idx %arg14[%parallel_loop3A_283] : memref<2176xf32, #tpu.memory_space<vmem>>[vector<16xi32>], vector<16xf32>,
        %parallel_loop3A_285 = arith.constant 7 : i32
        %parallel_loop3A_286 = vector.broadcast %parallel_loop3A_285 : i32 to vector<16xi32>
        %parallel_loop3A_287 = arith.addi %parallel_loop3A_256, %parallel_loop3A_286 : vector<16xi32>
        %parallel_loop3A_288 = tpu.vector_load_idx %arg14[%parallel_loop3A_287] : memref<2176xf32, #tpu.memory_space<vmem>>[vector<16xi32>], vector<16xf32>,
        %parallel_loop3A_289 = arith.constant 8 : i32
        %parallel_loop3A_290 = vector.broadcast %parallel_loop3A_289 : i32 to vector<16xi32>
        %parallel_loop3A_291 = arith.addi %parallel_loop3A_256, %parallel_loop3A_290 : vector<16xi32>
        %parallel_loop3A_292 = tpu.vector_load_idx %arg14[%parallel_loop3A_291] : memref<2176xf32, #tpu.memory_space<vmem>>[vector<16xi32>], vector<16xf32>,
        %parallel_loop3A_293 = arith.constant 9 : i32
        %parallel_loop3A_294 = vector.broadcast %parallel_loop3A_293 : i32 to vector<16xi32>
        %parallel_loop3A_295 = arith.addi %parallel_loop3A_256, %parallel_loop3A_294 : vector<16xi32>
        %parallel_loop3A_296 = tpu.vector_load_idx %arg14[%parallel_loop3A_295] : memref<2176xf32, #tpu.memory_space<vmem>>[vector<16xi32>], vector<16xf32>,
        %parallel_loop3A_297 = arith.constant 10 : i32
        %parallel_loop3A_298 = vector.broadcast %parallel_loop3A_297 : i32 to vector<16xi32>
        %parallel_loop3A_299 = arith.addi %parallel_loop3A_256, %parallel_loop3A_298 : vector<16xi32>
        %parallel_loop3A_300 = tpu.vector_load_idx %arg14[%parallel_loop3A_299] : memref<2176xf32, #tpu.memory_space<vmem>>[vector<16xi32>], vector<16xf32>,
        %parallel_loop3A_301 = arith.constant 11 : i32
        %parallel_loop3A_302 = vector.broadcast %parallel_loop3A_301 : i32 to vector<16xi32>
        %parallel_loop3A_303 = arith.addi %parallel_loop3A_256, %parallel_loop3A_302 : vector<16xi32>
        %parallel_loop3A_304 = tpu.vector_load_idx %arg14[%parallel_loop3A_303] : memref<2176xf32, #tpu.memory_space<vmem>>[vector<16xi32>], vector<16xf32>,
        %parallel_loop3A_305 = arith.constant 12 : i32
        %parallel_loop3A_306 = vector.broadcast %parallel_loop3A_305 : i32 to vector<16xi32>
        %parallel_loop3A_307 = arith.addi %parallel_loop3A_256, %parallel_loop3A_306 : vector<16xi32>
        %parallel_loop3A_308 = tpu.vector_load_idx %arg14[%parallel_loop3A_307] : memref<2176xf32, #tpu.memory_space<vmem>>[vector<16xi32>], vector<16xf32>,
        %parallel_loop3A_309 = arith.constant 13 : i32
        %parallel_loop3A_310 = vector.broadcast %parallel_loop3A_309 : i32 to vector<16xi32>
        %parallel_loop3A_311 = arith.addi %parallel_loop3A_256, %parallel_loop3A_310 : vector<16xi32>
        %parallel_loop3A_312 = tpu.vector_load_idx %arg14[%parallel_loop3A_311] : memref<2176xf32, #tpu.memory_space<vmem>>[vector<16xi32>], vector<16xf32>,
        %parallel_loop3A_313 = arith.constant 14 : i32
        %parallel_loop3A_314 = vector.broadcast %parallel_loop3A_313 : i32 to vector<16xi32>
        %parallel_loop3A_315 = arith.addi %parallel_loop3A_256, %parallel_loop3A_314 : vector<16xi32>
        %parallel_loop3A_316 = tpu.vector_load_idx %arg14[%parallel_loop3A_315] : memref<2176xf32, #tpu.memory_space<vmem>>[vector<16xi32>], vector<16xf32>,
        %parallel_loop3A_317 = arith.constant 15 : i32
        %parallel_loop3A_318 = vector.broadcast %parallel_loop3A_317 : i32 to vector<16xi32>
        %parallel_loop3A_319 = arith.addi %parallel_loop3A_256, %parallel_loop3A_318 : vector<16xi32>
        %parallel_loop3A_320 = tpu.vector_load_idx %arg14[%parallel_loop3A_319] : memref<2176xf32, #tpu.memory_space<vmem>>[vector<16xi32>], vector<16xf32>,
        %parallel_loop3A_321 = arith.addf %parallel_loop3A_260, %parallel_loop3A_264 : vector<16xf32>
        %parallel_loop3A_322 = arith.addf %parallel_loop3A_268, %parallel_loop3A_272 : vector<16xf32>
        %parallel_loop3A_323 = arith.addf %parallel_loop3A_321, %parallel_loop3A_322 : vector<16xf32>
        %parallel_loop3A_324 = arith.addf %parallel_loop3A_276, %parallel_loop3A_280 : vector<16xf32>
        %parallel_loop3A_325 = arith.addf %parallel_loop3A_284, %parallel_loop3A_288 : vector<16xf32>
        %parallel_loop3A_326 = arith.addf %parallel_loop3A_324, %parallel_loop3A_325 : vector<16xf32>
        %parallel_loop3A_327 = arith.addf %parallel_loop3A_323, %parallel_loop3A_326 : vector<16xf32>
        %parallel_loop3A_328 = arith.addf %parallel_loop3A_292, %parallel_loop3A_296 : vector<16xf32>
        %parallel_loop3A_329 = arith.addf %parallel_loop3A_300, %parallel_loop3A_304 : vector<16xf32>
        %parallel_loop3A_330 = arith.addf %parallel_loop3A_328, %parallel_loop3A_329 : vector<16xf32>
        %parallel_loop3A_331 = arith.addf %parallel_loop3A_308, %parallel_loop3A_312 : vector<16xf32>
        %parallel_loop3A_332 = arith.addf %parallel_loop3A_316, %parallel_loop3A_320 : vector<16xf32>
        %parallel_loop3A_333 = arith.addf %parallel_loop3A_331, %parallel_loop3A_332 : vector<16xf32>
        %parallel_loop3A_334 = arith.addf %parallel_loop3A_330, %parallel_loop3A_333 : vector<16xf32>
        %parallel_loop3A_335 = arith.addf %parallel_loop3A_327, %parallel_loop3A_334 : vector<16xf32>
        %parallel_loop3A_336 = arith.constant 128 : i32
        %parallel_loop3A_337 = arith.muli %select_n3A_105, %parallel_loop3A_336 : i32
        %parallel_loop3A_338 = arith.constant 16 : i32
        %parallel_loop3A_339 = arith.muli %parallel_loop3A_252, %parallel_loop3A_338 : i32
        %parallel_loop3A_340 = arith.addi %parallel_loop3A_337, %parallel_loop3A_339 : i32
        %parallel_loop3A_341 = arith.index_cast %parallel_loop3A_340 : i32 to index
        %parallel_loop3A_342 = tpu.vector_load %arg13[%parallel_loop3A_341] {strides = array<i32>} : memref<1024xf32, #tpu.memory_space<vmem>>, vector<16xf32>,
        tpu.vector_store %arg13[%parallel_loop3A_341], %parallel_loop3A_335 {strides = array<i32>} : memref<1024xf32, #tpu.memory_space<vmem>>, vector<16xf32>,
      } {sc.loop_unroll_factor = 2 : i64, sc.parallel_access}
      %eq3A_141 = arith.constant 7 : i32
      %eq3A_142 = arith.cmpi eq, %select_n3A_105, %eq3A_141 : i32
      %convert_element_type3A_143 = arith.extui %eq3A_142 : i1 to i32
      %cond3A_144 = arith.constant 0 : i32
      %cond3A_145 = arith.cmpi ne, %convert_element_type3A_143, %cond3A_144 : i32
      scf.if %cond3A_145 {
        %add3A_252 = arith.addi %mul3A_4, %select_n3A : i32
        %dma_start3A_253 = arith.constant 0 : i32
        %dma_start3A_254 = tpu.memref_slice %arg6[%add3A_252, %dma_start3A_253] : memref<1024x1024xf32, #tpu.memory_space<hbm>> -> memref<1x1024xf32, #tpu.memory_space<hbm>>
        %dma_start3A_255 = tpu.memref_squeeze %dma_start3A_254 : memref<1x1024xf32, #tpu.memory_space<hbm>> -> memref<1024xf32, #tpu.memory_space<hbm>>
        %dma_start3A_256 = arith.constant 0 : i32
        %dma_start3A_257 = tpu.memref_slice %arg6[%add3A_252, %dma_start3A_256] : memref<1024x1024xf32, #tpu.memory_space<hbm>> -> memref<1x1024xf32, #tpu.memory_space<hbm>>
        %dma_start3A_258 = tpu.memref_squeeze %dma_start3A_257 : memref<1x1024xf32, #tpu.memory_space<hbm>> -> memref<1024xf32, #tpu.memory_space<hbm>>
        tpu.enqueue_dma source(%arg13 : memref<1024xf32, #tpu.memory_space<vmem>>) target(%dma_start3A_258 : memref<1024xf32, #tpu.memory_space<hbm>>) target_semaphore(%arg21 : memref<!tpu.dma_semaphore, #tpu.memory_space<semaphore_mem>>)
      } else {
      }
      %mul3A_146 = arith.constant 2 : i32
      %mul3A_147 = arith.muli %mul3A_146, %scan3A_53 : i32
      %add3A_148 = arith.constant 1 : i32
      %add3A_149 = arith.addi %mul3A_147, %add3A_148 : i32
      %add3A_150 = arith.constant 2 : i32
      %add3A_151 = arith.addi %add3A_149, %add3A_150 : i32
      %sub3A_152 = arith.constant 1 : i32
      %sub3A_153 = arith.subi %add3A_151, %sub3A_152 : i32
      %lt3A_154 = arith.constant 256 : i32
      %lt3A_155 = arith.cmpi slt, %sub3A_153, %lt3A_154 : i32
      %convert_element_type3A_156 = arith.extui %lt3A_155 : i1 to i32
      %cond3A_157 = arith.constant 0 : i32
      %cond3A_158 = arith.cmpi ne, %convert_element_type3A_156, %cond3A_157 : i32
      scf.if %cond3A_158 {
        %add3A_252 = arith.addi %mul3A_2, %add3A_149 : i32
        %add3A_253 = arith.constant 2 : i32
        %add3A_254 = arith.addi %add3A_252, %add3A_253 : i32
        %sub3A_255 = arith.constant 1 : i32
        %sub3A_256 = arith.subi %add3A_254, %sub3A_255 : i32
        %dma_wait3A_257 = arith.constant 0 : i32
        %dma_wait3A_258 = tpu.memref_slice %arg5[%sub3A_256, %dma_wait3A_257] : memref<8192x128xi32, #tpu.memory_space<hbm>> -> memref<1x128xi32, #tpu.memory_space<hbm>>
        %dma_wait3A_259 = tpu.memref_squeeze %dma_wait3A_258 : memref<1x128xi32, #tpu.memory_space<hbm>> -> memref<128xi32, #tpu.memory_space<hbm>>
        %dma_wait3A_260 = arith.constant 0 : i32
        %dma_wait3A_261 = tpu.memref_slice %arg5[%sub3A_256, %dma_wait3A_260] : memref<8192x128xi32, #tpu.memory_space<hbm>> -> memref<1x128xi32, #tpu.memory_space<hbm>>
        %dma_wait3A_262 = tpu.memref_squeeze %dma_wait3A_261 : memref<1x128xi32, #tpu.memory_space<hbm>> -> memref<128xi32, #tpu.memory_space<hbm>>
        tpu.wait_dma2 semaphore(%arg17 : memref<!tpu.dma_semaphore, #tpu.memory_space<semaphore_mem>>) src(%dma_wait3A_262 : memref<128xi32, #tpu.memory_space<hbm>>) dst(%arg8 : memref<128xi32, #tpu.memory_space<vmem>>)
        %dma_start3A_263 = arith.constant 0 : i32
        %dma_start3A_264 = arith.constant 0 : i32
        %dma_start3A_265 = tpu.memref_slice %arg2[%dma_start3A_263, %dma_start3A_264] : memref<1000000x128xf32, #tpu.memory_space<hbm>> -> memref<1000000x128xf32, #tpu.memory_space<hbm>>
        tpu.enqueue_indirect_dma source(%dma_start3A_265 : memref<1000000x128xf32, #tpu.memory_space<hbm>>) target(%arg10 : memref<128x128xf32, #tpu.memory_space<vmem>>) offsets(%arg8 : memref<128xi32, #tpu.memory_space<vmem>>) semaphore(%arg19 : memref<!tpu.dma_semaphore, #tpu.memory_space<semaphore_mem>>)
      } else {
      }
      %dma_wait3A_159 = arith.constant 0 : i32
      %dma_wait3A_160 = arith.constant 0 : i32
      %dma_wait3A_161 = tpu.memref_slice %arg2[%dma_wait3A_159, %dma_wait3A_160] : memref<1000000x128xf32, #tpu.memory_space<hbm>> -> memref<1000000x128xf32, #tpu.memory_space<hbm>>
      tpu.wait_indirect_dma semaphore(%arg20 : memref<!tpu.dma_semaphore, #tpu.memory_space<semaphore_mem>>) src(%dma_wait3A_161 : memref<1000000x128xf32, #tpu.memory_space<hbm>>) dst(%arg11 : memref<128x128xf32, #tpu.memory_space<vmem>>)
      %add3A_162 = arith.constant 2 : i32
      %add3A_163 = arith.addi %add3A_149, %add3A_162 : i32
      %lt3A_164 = arith.constant 256 : i32
      %lt3A_165 = arith.cmpi slt, %add3A_163, %lt3A_164 : i32
      %convert_element_type3A_166 = arith.extui %lt3A_165 : i1 to i32
      %cond3A_167 = arith.constant 0 : i32
      %cond3A_168 = arith.cmpi ne, %convert_element_type3A_166, %cond3A_167 : i32
      scf.if %cond3A_168 {
        %add3A_252 = arith.addi %mul3A_2, %add3A_149 : i32
        %add3A_253 = arith.constant 2 : i32
        %add3A_254 = arith.addi %add3A_252, %add3A_253 : i32
        %dma_start3A_255 = arith.constant 0 : i32
        %dma_start3A_256 = tpu.memref_slice %arg5[%add3A_254, %dma_start3A_255] : memref<8192x128xi32, #tpu.memory_space<hbm>> -> memref<1x128xi32, #tpu.memory_space<hbm>>
        %dma_start3A_257 = tpu.memref_squeeze %dma_start3A_256 : memref<1x128xi32, #tpu.memory_space<hbm>> -> memref<128xi32, #tpu.memory_space<hbm>>
        %dma_start3A_258 = arith.constant 0 : i32
        %dma_start3A_259 = tpu.memref_slice %arg5[%add3A_254, %dma_start3A_258] : memref<8192x128xi32, #tpu.memory_space<hbm>> -> memref<1x128xi32, #tpu.memory_space<hbm>>
        %dma_start3A_260 = tpu.memref_squeeze %dma_start3A_259 : memref<1x128xi32, #tpu.memory_space<hbm>> -> memref<128xi32, #tpu.memory_space<hbm>>
        tpu.enqueue_dma source(%dma_start3A_260 : memref<128xi32, #tpu.memory_space<hbm>>) target(%arg9 : memref<128xi32, #tpu.memory_space<vmem>>) target_semaphore(%arg18 : memref<!tpu.dma_semaphore, #tpu.memory_space<semaphore_mem>>)
      } else {
      }
      %jit3A_169 = arith.constant 8 : i32
      %div3A_170 = arith.divsi %add3A_149, %jit3A_169 : i32
      %sign3A_171 = arith.constant 0 : i32
      %sign3A_172 = arith.cmpi sgt, %add3A_149, %sign3A_171 : i32
      %sign3A_173 = arith.extui %sign3A_172 : i1 to i32
      %sign3A_174 = arith.constant 0 : i32
      %sign3A_175 = arith.cmpi slt, %add3A_149, %sign3A_174 : i32
      %sign3A_176 = arith.extui %sign3A_175 : i1 to i32
      %sign3A_177 = arith.subi %sign3A_173, %sign3A_176 : i32
      %sign3A_178 = arith.constant 0 : i32
      %sign3A_179 = arith.cmpi sgt, %jit3A_169, %sign3A_178 : i32
      %sign3A_180 = arith.extui %sign3A_179 : i1 to i32
      %sign3A_181 = arith.constant 0 : i32
      %sign3A_182 = arith.cmpi slt, %jit3A_169, %sign3A_181 : i32
      %sign3A_183 = arith.extui %sign3A_182 : i1 to i32
      %sign3A_184 = arith.subi %sign3A_180, %sign3A_183 : i32
      %ne3A_185 = arith.cmpi ne, %sign3A_177, %sign3A_184 : i32
      %rem3A_186 = arith.remsi %add3A_149, %jit3A_169 : i32
      %ne3A_187 = arith.constant 0 : i32
      %ne3A_188 = arith.cmpi ne, %rem3A_186, %ne3A_187 : i32
      %and3A_189 = arith.andi %ne3A_185, %ne3A_188 : i1
      %sub3A_190 = arith.constant 1 : i32
      %sub3A_191 = arith.subi %div3A_170, %sub3A_190 : i32
      %select_n3A_192 = arith.select %and3A_189, %sub3A_191, %div3A_170 : i32
      %jit3A_193 = arith.constant 8 : i32
      %eq3A_194 = arith.constant 0 : i32
      %eq3A_195 = arith.cmpi eq, %jit3A_193, %eq3A_194 : i32
      %jit3A_196 = arith.constant 1 : i32
      %select_n3A_197 = arith.select %eq3A_195, %jit3A_196, %jit3A_193 : i32
      %rem3A_198 = arith.remsi %add3A_149, %select_n3A_197 : i32
      %ne3A_199 = arith.constant 0 : i32
      %ne3A_200 = arith.cmpi ne, %rem3A_198, %ne3A_199 : i32
      %lt3A_201 = arith.constant 0 : i32
      %lt3A_202 = arith.cmpi slt, %rem3A_198, %lt3A_201 : i32
      %lt3A_203 = arith.constant 0 : i32
      %lt3A_204 = arith.cmpi slt, %select_n3A_197, %lt3A_203 : i32
      %ne3A_205 = arith.xori %lt3A_202, %lt3A_204 : i1
      %and3A_206 = arith.andi %ne3A_205, %ne3A_200 : i1
      %add3A_207 = arith.addi %rem3A_198, %select_n3A_197 : i32
      %select_n3A_208 = arith.select %and3A_206, %add3A_207, %rem3A_198 : i32
      %eq3A_209 = arith.constant 0 : i32
      %eq3A_210 = arith.cmpi eq, %select_n3A_208, %eq3A_209 : i32
      %gt3A_211 = arith.constant 0 : i32
      %gt3A_212 = arith.cmpi sgt, %select_n3A_192, %gt3A_211 : i32
      %and3A_213 = arith.andi %eq3A_210, %gt3A_212 : i1
      %convert_element_type3A_214 = arith.extui %and3A_213 : i1 to i32
      %cond3A_215 = arith.constant 0 : i32
      %cond3A_216 = arith.cmpi ne, %convert_element_type3A_214, %cond3A_215 : i32
      scf.if %cond3A_216 {
        %add3A_252 = arith.addi %mul3A_4, %select_n3A_192 : i32
        %sub3A_253 = arith.constant 1 : i32
        %sub3A_254 = arith.subi %add3A_252, %sub3A_253 : i32
        %dma_wait3A_255 = arith.constant 0 : i32
        %dma_wait3A_256 = tpu.memref_slice %arg6[%sub3A_254, %dma_wait3A_255] : memref<1024x1024xf32, #tpu.memory_space<hbm>> -> memref<1x1024xf32, #tpu.memory_space<hbm>>
        %dma_wait3A_257 = tpu.memref_squeeze %dma_wait3A_256 : memref<1x1024xf32, #tpu.memory_space<hbm>> -> memref<1024xf32, #tpu.memory_space<hbm>>
        %dma_wait3A_258 = arith.constant 0 : i32
        %dma_wait3A_259 = tpu.memref_slice %arg6[%sub3A_254, %dma_wait3A_258] : memref<1024x1024xf32, #tpu.memory_space<hbm>> -> memref<1x1024xf32, #tpu.memory_space<hbm>>
        %dma_wait3A_260 = tpu.memref_squeeze %dma_wait3A_259 : memref<1x1024xf32, #tpu.memory_space<hbm>> -> memref<1024xf32, #tpu.memory_space<hbm>>
        tpu.wait_dma2 semaphore(%arg21 : memref<!tpu.dma_semaphore, #tpu.memory_space<semaphore_mem>>) src(%arg13 : memref<1024xf32, #tpu.memory_space<vmem>>) dst(%dma_wait3A_260 : memref<1024xf32, #tpu.memory_space<hbm>>)
      } else {
      }
      %get3A_217 = arith.index_cast %select_n3A_192 : i32 to index
      %get3A_218 = arith.constant 0 : index
      %get3A_219 = tpu.vector_load %arg12[%get3A_217, %get3A_218] {strides = array<i32>} : memref<32x128xf32, #tpu.memory_space<vmem>>, vector<16xf32>,
      %get3A_220 = arith.index_cast %select_n3A_192 : i32 to index
      %get3A_221 = arith.constant 16 : index
      %get3A_222 = tpu.vector_load %arg12[%get3A_220, %get3A_221] {strides = array<i32>} : memref<32x128xf32, #tpu.memory_space<vmem>>, vector<16xf32>,
      %get3A_223 = arith.index_cast %select_n3A_192 : i32 to index
      %get3A_224 = arith.constant 32 : index
      %get3A_225 = tpu.vector_load %arg12[%get3A_223, %get3A_224] {strides = array<i32>} : memref<32x128xf32, #tpu.memory_space<vmem>>, vector<16xf32>,
      %get3A_226 = arith.index_cast %select_n3A_192 : i32 to index
      %get3A_227 = arith.constant 48 : index
      %get3A_228 = tpu.vector_load %arg12[%get3A_226, %get3A_227] {strides = array<i32>} : memref<32x128xf32, #tpu.memory_space<vmem>>, vector<16xf32>,
      %get3A_229 = arith.index_cast %select_n3A_192 : i32 to index
      %get3A_230 = arith.constant 64 : index
      %get3A_231 = tpu.vector_load %arg12[%get3A_229, %get3A_230] {strides = array<i32>} : memref<32x128xf32, #tpu.memory_space<vmem>>, vector<16xf32>,
      %get3A_232 = arith.index_cast %select_n3A_192 : i32 to index
      %get3A_233 = arith.constant 80 : index
      %get3A_234 = tpu.vector_load %arg12[%get3A_232, %get3A_233] {strides = array<i32>} : memref<32x128xf32, #tpu.memory_space<vmem>>, vector<16xf32>,
      %get3A_235 = arith.index_cast %select_n3A_192 : i32 to index
      %get3A_236 = arith.constant 96 : index
      %get3A_237 = tpu.vector_load %arg12[%get3A_235, %get3A_236] {strides = array<i32>} : memref<32x128xf32, #tpu.memory_space<vmem>>, vector<16xf32>,
      %get3A_238 = arith.index_cast %select_n3A_192 : i32 to index
      %get3A_239 = arith.constant 112 : index
      %get3A_240 = tpu.vector_load %arg12[%get3A_238, %get3A_239] {strides = array<i32>} : memref<32x128xf32, #tpu.memory_space<vmem>>, vector<16xf32>,
      %parallel_loop3A_241 = arith.constant 0 : i32
      %parallel_loop3A_242 = arith.constant 128 : i32
      %parallel_loop3A_243 = arith.constant 1 : i32
      scf.for %parallel_loop3A_252 = %parallel_loop3A_241 to %parallel_loop3A_242 step %parallel_loop3A_243  : i32 {
        %parallel_loop3A_253 = arith.index_cast %parallel_loop3A_252 : i32 to index
        %parallel_loop3A_254 = arith.constant 0 : index
        %parallel_loop3A_255 = tpu.vector_load %arg11[%parallel_loop3A_253, %parallel_loop3A_254] {strides = array<i32>} : memref<128x128xf32, #tpu.memory_space<vmem>>, vector<16xf32>,
        %parallel_loop3A_256 = arith.mulf %parallel_loop3A_255, %get3A_219 : vector<16xf32>
        %parallel_loop3A_257 = arith.index_cast %parallel_loop3A_252 : i32 to index
        %parallel_loop3A_258 = arith.constant 16 : index
        %parallel_loop3A_259 = tpu.vector_load %arg11[%parallel_loop3A_257, %parallel_loop3A_258] {strides = array<i32>} : memref<128x128xf32, #tpu.memory_space<vmem>>, vector<16xf32>,
        %parallel_loop3A_260 = arith.mulf %parallel_loop3A_259, %get3A_222 : vector<16xf32>
        %parallel_loop3A_261 = arith.index_cast %parallel_loop3A_252 : i32 to index
        %parallel_loop3A_262 = arith.constant 32 : index
        %parallel_loop3A_263 = tpu.vector_load %arg11[%parallel_loop3A_261, %parallel_loop3A_262] {strides = array<i32>} : memref<128x128xf32, #tpu.memory_space<vmem>>, vector<16xf32>,
        %parallel_loop3A_264 = arith.mulf %parallel_loop3A_263, %get3A_225 : vector<16xf32>
        %parallel_loop3A_265 = arith.index_cast %parallel_loop3A_252 : i32 to index
        %parallel_loop3A_266 = arith.constant 48 : index
        %parallel_loop3A_267 = tpu.vector_load %arg11[%parallel_loop3A_265, %parallel_loop3A_266] {strides = array<i32>} : memref<128x128xf32, #tpu.memory_space<vmem>>, vector<16xf32>,
        %parallel_loop3A_268 = arith.mulf %parallel_loop3A_267, %get3A_228 : vector<16xf32>
        %parallel_loop3A_269 = arith.index_cast %parallel_loop3A_252 : i32 to index
        %parallel_loop3A_270 = arith.constant 64 : index
        %parallel_loop3A_271 = tpu.vector_load %arg11[%parallel_loop3A_269, %parallel_loop3A_270] {strides = array<i32>} : memref<128x128xf32, #tpu.memory_space<vmem>>, vector<16xf32>,
        %parallel_loop3A_272 = arith.mulf %parallel_loop3A_271, %get3A_231 : vector<16xf32>
        %parallel_loop3A_273 = arith.index_cast %parallel_loop3A_252 : i32 to index
        %parallel_loop3A_274 = arith.constant 80 : index
        %parallel_loop3A_275 = tpu.vector_load %arg11[%parallel_loop3A_273, %parallel_loop3A_274] {strides = array<i32>} : memref<128x128xf32, #tpu.memory_space<vmem>>, vector<16xf32>,
        %parallel_loop3A_276 = arith.mulf %parallel_loop3A_275, %get3A_234 : vector<16xf32>
        %parallel_loop3A_277 = arith.index_cast %parallel_loop3A_252 : i32 to index
        %parallel_loop3A_278 = arith.constant 96 : index
        %parallel_loop3A_279 = tpu.vector_load %arg11[%parallel_loop3A_277, %parallel_loop3A_278] {strides = array<i32>} : memref<128x128xf32, #tpu.memory_space<vmem>>, vector<16xf32>,
        %parallel_loop3A_280 = arith.mulf %parallel_loop3A_279, %get3A_237 : vector<16xf32>
        %parallel_loop3A_281 = arith.index_cast %parallel_loop3A_252 : i32 to index
        %parallel_loop3A_282 = arith.constant 112 : index
        %parallel_loop3A_283 = tpu.vector_load %arg11[%parallel_loop3A_281, %parallel_loop3A_282] {strides = array<i32>} : memref<128x128xf32, #tpu.memory_space<vmem>>, vector<16xf32>,
        %parallel_loop3A_284 = arith.mulf %parallel_loop3A_283, %get3A_240 : vector<16xf32>
        %parallel_loop3A_285 = arith.addf %parallel_loop3A_256, %parallel_loop3A_260 : vector<16xf32>
        %parallel_loop3A_286 = arith.addf %parallel_loop3A_264, %parallel_loop3A_268 : vector<16xf32>
        %parallel_loop3A_287 = arith.addf %parallel_loop3A_285, %parallel_loop3A_286 : vector<16xf32>
        %parallel_loop3A_288 = arith.addf %parallel_loop3A_272, %parallel_loop3A_276 : vector<16xf32>
        %parallel_loop3A_289 = arith.addf %parallel_loop3A_280, %parallel_loop3A_284 : vector<16xf32>
        %parallel_loop3A_290 = arith.addf %parallel_loop3A_288, %parallel_loop3A_289 : vector<16xf32>
        %parallel_loop3A_291 = arith.addf %parallel_loop3A_287, %parallel_loop3A_290 : vector<16xf32>
        %parallel_loop3A_292 = arith.constant 17 : i32
        %parallel_loop3A_293 = arith.muli %parallel_loop3A_252, %parallel_loop3A_292 : i32
        %parallel_loop3A_294 = arith.index_cast %parallel_loop3A_293 : i32 to index
        %parallel_loop3A_295 = tpu.vector_load %arg14[%parallel_loop3A_294] {strides = array<i32>} : memref<2176xf32, #tpu.memory_space<vmem>>, vector<16xf32>,
        tpu.vector_store %arg14[%parallel_loop3A_294], %parallel_loop3A_291 {strides = array<i32>} : memref<2176xf32, #tpu.memory_space<vmem>>, vector<16xf32>,
      } {sc.loop_unroll_factor = 8 : i64, sc.parallel_access}
      %parallel_loop3A_244 = arith.constant 0 : i32
      %parallel_loop3A_245 = arith.constant 8 : i32
      %parallel_loop3A_246 = arith.constant 1 : i32
      scf.for %parallel_loop3A_252 = %parallel_loop3A_244 to %parallel_loop3A_245 step %parallel_loop3A_246  : i32 {
        %parallel_loop3A_253 = arith.constant 272 : i32
        %parallel_loop3A_254 = arith.muli %parallel_loop3A_252, %parallel_loop3A_253 : i32
        %parallel_loop3A_255 = vector.broadcast %parallel_loop3A_254 : i32 to vector<16xi32>
        %parallel_loop3A_256 = arith.addi %mul3A_35, %parallel_loop3A_255 : vector<16xi32>
        %parallel_loop3A_257 = arith.constant 0 : i32
        %parallel_loop3A_258 = vector.broadcast %parallel_loop3A_257 : i32 to vector<16xi32>
        %parallel_loop3A_259 = arith.addi %parallel_loop3A_256, %parallel_loop3A_258 : vector<16xi32>
        %parallel_loop3A_260 = tpu.vector_load_idx %arg14[%parallel_loop3A_259] : memref<2176xf32, #tpu.memory_space<vmem>>[vector<16xi32>], vector<16xf32>,
        %parallel_loop3A_261 = arith.constant 1 : i32
        %parallel_loop3A_262 = vector.broadcast %parallel_loop3A_261 : i32 to vector<16xi32>
        %parallel_loop3A_263 = arith.addi %parallel_loop3A_256, %parallel_loop3A_262 : vector<16xi32>
        %parallel_loop3A_264 = tpu.vector_load_idx %arg14[%parallel_loop3A_263] : memref<2176xf32, #tpu.memory_space<vmem>>[vector<16xi32>], vector<16xf32>,
        %parallel_loop3A_265 = arith.constant 2 : i32
        %parallel_loop3A_266 = vector.broadcast %parallel_loop3A_265 : i32 to vector<16xi32>
        %parallel_loop3A_267 = arith.addi %parallel_loop3A_256, %parallel_loop3A_266 : vector<16xi32>
        %parallel_loop3A_268 = tpu.vector_load_idx %arg14[%parallel_loop3A_267] : memref<2176xf32, #tpu.memory_space<vmem>>[vector<16xi32>], vector<16xf32>,
        %parallel_loop3A_269 = arith.constant 3 : i32
        %parallel_loop3A_270 = vector.broadcast %parallel_loop3A_269 : i32 to vector<16xi32>
        %parallel_loop3A_271 = arith.addi %parallel_loop3A_256, %parallel_loop3A_270 : vector<16xi32>
        %parallel_loop3A_272 = tpu.vector_load_idx %arg14[%parallel_loop3A_271] : memref<2176xf32, #tpu.memory_space<vmem>>[vector<16xi32>], vector<16xf32>,
        %parallel_loop3A_273 = arith.constant 4 : i32
        %parallel_loop3A_274 = vector.broadcast %parallel_loop3A_273 : i32 to vector<16xi32>
        %parallel_loop3A_275 = arith.addi %parallel_loop3A_256, %parallel_loop3A_274 : vector<16xi32>
        %parallel_loop3A_276 = tpu.vector_load_idx %arg14[%parallel_loop3A_275] : memref<2176xf32, #tpu.memory_space<vmem>>[vector<16xi32>], vector<16xf32>,
        %parallel_loop3A_277 = arith.constant 5 : i32
        %parallel_loop3A_278 = vector.broadcast %parallel_loop3A_277 : i32 to vector<16xi32>
        %parallel_loop3A_279 = arith.addi %parallel_loop3A_256, %parallel_loop3A_278 : vector<16xi32>
        %parallel_loop3A_280 = tpu.vector_load_idx %arg14[%parallel_loop3A_279] : memref<2176xf32, #tpu.memory_space<vmem>>[vector<16xi32>], vector<16xf32>,
        %parallel_loop3A_281 = arith.constant 6 : i32
        %parallel_loop3A_282 = vector.broadcast %parallel_loop3A_281 : i32 to vector<16xi32>
        %parallel_loop3A_283 = arith.addi %parallel_loop3A_256, %parallel_loop3A_282 : vector<16xi32>
        %parallel_loop3A_284 = tpu.vector_load_idx %arg14[%parallel_loop3A_283] : memref<2176xf32, #tpu.memory_space<vmem>>[vector<16xi32>], vector<16xf32>,
        %parallel_loop3A_285 = arith.constant 7 : i32
        %parallel_loop3A_286 = vector.broadcast %parallel_loop3A_285 : i32 to vector<16xi32>
        %parallel_loop3A_287 = arith.addi %parallel_loop3A_256, %parallel_loop3A_286 : vector<16xi32>
        %parallel_loop3A_288 = tpu.vector_load_idx %arg14[%parallel_loop3A_287] : memref<2176xf32, #tpu.memory_space<vmem>>[vector<16xi32>], vector<16xf32>,
        %parallel_loop3A_289 = arith.constant 8 : i32
        %parallel_loop3A_290 = vector.broadcast %parallel_loop3A_289 : i32 to vector<16xi32>
        %parallel_loop3A_291 = arith.addi %parallel_loop3A_256, %parallel_loop3A_290 : vector<16xi32>
        %parallel_loop3A_292 = tpu.vector_load_idx %arg14[%parallel_loop3A_291] : memref<2176xf32, #tpu.memory_space<vmem>>[vector<16xi32>], vector<16xf32>,
        %parallel_loop3A_293 = arith.constant 9 : i32
        %parallel_loop3A_294 = vector.broadcast %parallel_loop3A_293 : i32 to vector<16xi32>
        %parallel_loop3A_295 = arith.addi %parallel_loop3A_256, %parallel_loop3A_294 : vector<16xi32>
        %parallel_loop3A_296 = tpu.vector_load_idx %arg14[%parallel_loop3A_295] : memref<2176xf32, #tpu.memory_space<vmem>>[vector<16xi32>], vector<16xf32>,
        %parallel_loop3A_297 = arith.constant 10 : i32
        %parallel_loop3A_298 = vector.broadcast %parallel_loop3A_297 : i32 to vector<16xi32>
        %parallel_loop3A_299 = arith.addi %parallel_loop3A_256, %parallel_loop3A_298 : vector<16xi32>
        %parallel_loop3A_300 = tpu.vector_load_idx %arg14[%parallel_loop3A_299] : memref<2176xf32, #tpu.memory_space<vmem>>[vector<16xi32>], vector<16xf32>,
        %parallel_loop3A_301 = arith.constant 11 : i32
        %parallel_loop3A_302 = vector.broadcast %parallel_loop3A_301 : i32 to vector<16xi32>
        %parallel_loop3A_303 = arith.addi %parallel_loop3A_256, %parallel_loop3A_302 : vector<16xi32>
        %parallel_loop3A_304 = tpu.vector_load_idx %arg14[%parallel_loop3A_303] : memref<2176xf32, #tpu.memory_space<vmem>>[vector<16xi32>], vector<16xf32>,
        %parallel_loop3A_305 = arith.constant 12 : i32
        %parallel_loop3A_306 = vector.broadcast %parallel_loop3A_305 : i32 to vector<16xi32>
        %parallel_loop3A_307 = arith.addi %parallel_loop3A_256, %parallel_loop3A_306 : vector<16xi32>
        %parallel_loop3A_308 = tpu.vector_load_idx %arg14[%parallel_loop3A_307] : memref<2176xf32, #tpu.memory_space<vmem>>[vector<16xi32>], vector<16xf32>,
        %parallel_loop3A_309 = arith.constant 13 : i32
        %parallel_loop3A_310 = vector.broadcast %parallel_loop3A_309 : i32 to vector<16xi32>
        %parallel_loop3A_311 = arith.addi %parallel_loop3A_256, %parallel_loop3A_310 : vector<16xi32>
        %parallel_loop3A_312 = tpu.vector_load_idx %arg14[%parallel_loop3A_311] : memref<2176xf32, #tpu.memory_space<vmem>>[vector<16xi32>], vector<16xf32>,
        %parallel_loop3A_313 = arith.constant 14 : i32
        %parallel_loop3A_314 = vector.broadcast %parallel_loop3A_313 : i32 to vector<16xi32>
        %parallel_loop3A_315 = arith.addi %parallel_loop3A_256, %parallel_loop3A_314 : vector<16xi32>
        %parallel_loop3A_316 = tpu.vector_load_idx %arg14[%parallel_loop3A_315] : memref<2176xf32, #tpu.memory_space<vmem>>[vector<16xi32>], vector<16xf32>,
        %parallel_loop3A_317 = arith.constant 15 : i32
        %parallel_loop3A_318 = vector.broadcast %parallel_loop3A_317 : i32 to vector<16xi32>
        %parallel_loop3A_319 = arith.addi %parallel_loop3A_256, %parallel_loop3A_318 : vector<16xi32>
        %parallel_loop3A_320 = tpu.vector_load_idx %arg14[%parallel_loop3A_319] : memref<2176xf32, #tpu.memory_space<vmem>>[vector<16xi32>], vector<16xf32>,
        %parallel_loop3A_321 = arith.addf %parallel_loop3A_260, %parallel_loop3A_264 : vector<16xf32>
        %parallel_loop3A_322 = arith.addf %parallel_loop3A_268, %parallel_loop3A_272 : vector<16xf32>
        %parallel_loop3A_323 = arith.addf %parallel_loop3A_321, %parallel_loop3A_322 : vector<16xf32>
        %parallel_loop3A_324 = arith.addf %parallel_loop3A_276, %parallel_loop3A_280 : vector<16xf32>
        %parallel_loop3A_325 = arith.addf %parallel_loop3A_284, %parallel_loop3A_288 : vector<16xf32>
        %parallel_loop3A_326 = arith.addf %parallel_loop3A_324, %parallel_loop3A_325 : vector<16xf32>
        %parallel_loop3A_327 = arith.addf %parallel_loop3A_323, %parallel_loop3A_326 : vector<16xf32>
        %parallel_loop3A_328 = arith.addf %parallel_loop3A_292, %parallel_loop3A_296 : vector<16xf32>
        %parallel_loop3A_329 = arith.addf %parallel_loop3A_300, %parallel_loop3A_304 : vector<16xf32>
        %parallel_loop3A_330 = arith.addf %parallel_loop3A_328, %parallel_loop3A_329 : vector<16xf32>
        %parallel_loop3A_331 = arith.addf %parallel_loop3A_308, %parallel_loop3A_312 : vector<16xf32>
        %parallel_loop3A_332 = arith.addf %parallel_loop3A_316, %parallel_loop3A_320 : vector<16xf32>
        %parallel_loop3A_333 = arith.addf %parallel_loop3A_331, %parallel_loop3A_332 : vector<16xf32>
        %parallel_loop3A_334 = arith.addf %parallel_loop3A_330, %parallel_loop3A_333 : vector<16xf32>
        %parallel_loop3A_335 = arith.addf %parallel_loop3A_327, %parallel_loop3A_334 : vector<16xf32>
        %parallel_loop3A_336 = arith.constant 128 : i32
        %parallel_loop3A_337 = arith.muli %select_n3A_208, %parallel_loop3A_336 : i32
        %parallel_loop3A_338 = arith.constant 16 : i32
        %parallel_loop3A_339 = arith.muli %parallel_loop3A_252, %parallel_loop3A_338 : i32
        %parallel_loop3A_340 = arith.addi %parallel_loop3A_337, %parallel_loop3A_339 : i32
        %parallel_loop3A_341 = arith.index_cast %parallel_loop3A_340 : i32 to index
        %parallel_loop3A_342 = tpu.vector_load %arg13[%parallel_loop3A_341] {strides = array<i32>} : memref<1024xf32, #tpu.memory_space<vmem>>, vector<16xf32>,
        tpu.vector_store %arg13[%parallel_loop3A_341], %parallel_loop3A_335 {strides = array<i32>} : memref<1024xf32, #tpu.memory_space<vmem>>, vector<16xf32>,
      } {sc.loop_unroll_factor = 2 : i64, sc.parallel_access}
      %eq3A_247 = arith.constant 7 : i32
      %eq3A_248 = arith.cmpi eq, %select_n3A_208, %eq3A_247 : i32
      %convert_element_type3A_249 = arith.extui %eq3A_248 : i1 to i32
      %cond3A_250 = arith.constant 0 : i32
      %cond3A_251 = arith.cmpi ne, %convert_element_type3A_249, %cond3A_250 : i32
      scf.if %cond3A_251 {
        %add3A_252 = arith.addi %mul3A_4, %select_n3A_192 : i32
        %dma_start3A_253 = arith.constant 0 : i32
        %dma_start3A_254 = tpu.memref_slice %arg6[%add3A_252, %dma_start3A_253] : memref<1024x1024xf32, #tpu.memory_space<hbm>> -> memref<1x1024xf32, #tpu.memory_space<hbm>>
        %dma_start3A_255 = tpu.memref_squeeze %dma_start3A_254 : memref<1x1024xf32, #tpu.memory_space<hbm>> -> memref<1024xf32, #tpu.memory_space<hbm>>
        %dma_start3A_256 = arith.constant 0 : i32
        %dma_start3A_257 = tpu.memref_slice %arg6[%add3A_252, %dma_start3A_256] : memref<1024x1024xf32, #tpu.memory_space<hbm>> -> memref<1x1024xf32, #tpu.memory_space<hbm>>
        %dma_start3A_258 = tpu.memref_squeeze %dma_start3A_257 : memref<1x1024xf32, #tpu.memory_space<hbm>> -> memref<1024xf32, #tpu.memory_space<hbm>>
        tpu.enqueue_dma source(%arg13 : memref<1024xf32, #tpu.memory_space<vmem>>) target(%dma_start3A_258 : memref<1024xf32, #tpu.memory_space<hbm>>) target_semaphore(%arg21 : memref<!tpu.dma_semaphore, #tpu.memory_space<semaphore_mem>>)
      } else {
      }
    }
    %scan3A_40 = arith.constant 128 : i32
    %add3A_41 = arith.constant 32 : i32
    %add3A_42 = arith.addi %mul3A_4, %add3A_41 : i32
    %sub3A = arith.constant 1 : i32
    %sub3A_43 = arith.subi %add3A_42, %sub3A : i32
    %dma_wait3A_44 = arith.constant 0 : i32
    %dma_wait3A_45 = tpu.memref_slice %arg6[%sub3A_43, %dma_wait3A_44] : memref<1024x1024xf32, #tpu.memory_space<hbm>> -> memref<1x1024xf32, #tpu.memory_space<hbm>>
    %dma_wait3A_46 = tpu.memref_squeeze %dma_wait3A_45 : memref<1x1024xf32, #tpu.memory_space<hbm>> -> memref<1024xf32, #tpu.memory_space<hbm>>
    %dma_wait3A_47 = arith.constant 0 : i32
    %dma_wait3A_48 = tpu.memref_slice %arg6[%sub3A_43, %dma_wait3A_47] : memref<1024x1024xf32, #tpu.memory_space<hbm>> -> memref<1x1024xf32, #tpu.memory_space<hbm>>
    %dma_wait3A_49 = tpu.memref_squeeze %dma_wait3A_48 : memref<1x1024xf32, #tpu.memory_space<hbm>> -> memref<1024xf32, #tpu.memory_space<hbm>>
    tpu.wait_dma2 semaphore(%arg21 : memref<!tpu.dma_semaphore, #tpu.memory_space<semaphore_mem>>) src(%arg13 : memref<1024xf32, #tpu.memory_space<vmem>>) dst(%dma_wait3A_49 : memref<1024xf32, #tpu.memory_space<hbm>>)
    %dma_wait3A_50 = arith.constant 0 : i32
    %dma_wait3A_51 = arith.constant 0 : i32
    %dma_wait3A_52 = tpu.memref_slice %arg2[%dma_wait3A_50, %dma_wait3A_51] : memref<1000000x128xf32, #tpu.memory_space<hbm>> -> memref<1000000x128xf32, #tpu.memory_space<hbm>>
    tpu.wait_indirect_dma semaphore(%arg22 : memref<!tpu.dma_semaphore, #tpu.memory_space<semaphore_mem>>) src(%dma_wait3A_52 : memref<1000000x128xf32, #tpu.memory_space<hbm>>) dst(%arg16 : memref<32x128xf32, #tpu.memory_space<vmem>>)
    "tpu.region"() ({
      %run_scoped3A = tpu.sem_alloc : memref<!tpu.dma_semaphore, #tpu.memory_space<semaphore_mem>>
      %dma_start3A_53 = arith.constant 0 : i32
      %dma_start3A_54 = tpu.memref_slice %arg7[%mul3A_4, %dma_start3A_53] : memref<1024x128xf32, #tpu.memory_space<hbm>> -> memref<32x128xf32, #tpu.memory_space<hbm>>
      %dma_start3A_55 = arith.constant 0 : i32
      %dma_start3A_56 = tpu.memref_slice %arg7[%mul3A_4, %dma_start3A_55] : memref<1024x128xf32, #tpu.memory_space<hbm>> -> memref<32x128xf32, #tpu.memory_space<hbm>>
      tpu.enqueue_dma source(%arg16 : memref<32x128xf32, #tpu.memory_space<vmem>>) target(%dma_start3A_56 : memref<32x128xf32, #tpu.memory_space<hbm>>) target_semaphore(%run_scoped3A : memref<!tpu.dma_semaphore, #tpu.memory_space<semaphore_mem>>)
      %dma_wait3A_57 = arith.constant 0 : i32
      %dma_wait3A_58 = tpu.memref_slice %arg7[%mul3A_4, %dma_wait3A_57] : memref<1024x128xf32, #tpu.memory_space<hbm>> -> memref<32x128xf32, #tpu.memory_space<hbm>>
      %dma_wait3A_59 = arith.constant 0 : i32
      %dma_wait3A_60 = tpu.memref_slice %arg7[%mul3A_4, %dma_wait3A_59] : memref<1024x128xf32, #tpu.memory_space<hbm>> -> memref<32x128xf32, #tpu.memory_space<hbm>>
      tpu.wait_dma2 semaphore(%run_scoped3A : memref<!tpu.dma_semaphore, #tpu.memory_space<semaphore_mem>>) src(%arg16 : memref<32x128xf32, #tpu.memory_space<vmem>>) dst(%dma_wait3A_60 : memref<32x128xf32, #tpu.memory_space<hbm>>)
      tpu.yield
    }) : () -> ()
    return
  }
}

module attributes {stable_mosaic.version = 14 : i64} {
  func.func @_loss_body(%arg0: memref<1024x1024xf32, #tpu.memory_space<vmem>>, %arg1: memref<1024x128xf32, #tpu.memory_space<vmem>>, %arg2: memref<1024x128xf32, #tpu.memory_space<vmem>>, %arg3: memref<1x1xf32, #tpu.memory_space<vmem>>, %arg4: memref<1024x128xf32, #tpu.memory_space<vmem>>, %arg5: memref<1x1xf32, #tpu.memory_space<vmem>>, %arg6: memref<1x1xf32, #tpu.memory_space<vmem>>) attributes {dimension_semantics = [], scalar_prefetch = 0 : i64, scratch_operands = 0 : i64, tpu.core_type = #tpu.core_type<tc>} {
    %get3A = arith.constant 0 : index
    %get3A_0 = arith.constant 0 : index
    %get3A_1 = vector.load %arg2[%get3A, %get3A_0] : memref<1024x128xf32, #tpu.memory_space<vmem>>, vector<1024x128xf32>
    %get3A_2 = arith.constant 0 : index
    %get3A_3 = arith.constant 0 : index
    %get3A_4 = vector.load %arg1[%get3A_2, %get3A_3] : memref<1024x128xf32, #tpu.memory_space<vmem>>, vector<1024x128xf32>
    %mul3A = arith.mulf %get3A_1, %get3A_4 : vector<1024x128xf32>
    %reduce_sum3A = arith.constant dense<0.000000e+00> : vector<1024xf32>
    %reduce_sum3A_5 = vector.multi_reduction <add>, %mul3A, %reduce_sum3A [1] : vector<1024x128xf32> to vector<1024xf32>
    %div3A = arith.constant 7.000000e-02 : f32
    %div3A_6 = vector.broadcast %div3A : f32 to vector<1024xf32>
    %div3A_7 = arith.divf %reduce_sum3A_5, %div3A_6 : vector<1024xf32>
    %get3A_8 = arith.constant 0 : index
    %get3A_9 = arith.constant 0 : index
    %get3A_10 = vector.load %arg0[%get3A_8, %get3A_9] : memref<1024x1024xf32, #tpu.memory_space<vmem>>, vector<1024x1024xf32>
    %mul3A_11 = arith.constant 14.2857141 : f32
    %mul3A_12 = vector.broadcast %mul3A_11 : f32 to vector<1024x1024xf32>
    %mul3A_13 = arith.mulf %get3A_10, %mul3A_12 : vector<1024x1024xf32>
    %reduce_max3A = arith.constant dense<0xFF800000> : vector<1024xf32>
    %reduce_max3A_14 = vector.multi_reduction <maximumf>, %mul3A_13, %reduce_max3A [1] : vector<1024x1024xf32> to vector<1024xf32>
    %broadcast_in_dim3A = vector.shape_cast %reduce_max3A_14 : vector<1024xf32> to vector<1024x1xf32>
    %sub3A = vector.broadcast %broadcast_in_dim3A : vector<1024x1xf32> to vector<1024x1024xf32>
    %sub3A_15 = arith.subf %mul3A_13, %sub3A : vector<1024x1024xf32>
    %exp3A = math.exp %sub3A_15 : vector<1024x1024xf32>
    %reduce_sum3A_16 = arith.constant dense<0.000000e+00> : vector<1024xf32>
    %reduce_sum3A_17 = vector.multi_reduction <add>, %exp3A, %reduce_sum3A_16 [1] : vector<1024x1024xf32> to vector<1024xf32>
    %log3A = math.log %reduce_sum3A_17 : vector<1024xf32>
    %add3A = arith.addf %reduce_max3A_14, %log3A : vector<1024xf32>
    %max3A = arith.maximumf %div3A_7, %add3A : vector<1024xf32>
    %sub3A_18 = arith.subf %div3A_7, %max3A : vector<1024xf32>
    %exp3A_19 = math.exp %sub3A_18 : vector<1024xf32>
    %sub3A_20 = arith.subf %add3A, %max3A : vector<1024xf32>
    %exp3A_21 = math.exp %sub3A_20 : vector<1024xf32>
    %add3A_22 = arith.addf %exp3A_19, %exp3A_21 : vector<1024xf32>
    %log3A_23 = math.log %add3A_22 : vector<1024xf32>
    %add3A_24 = arith.addf %max3A, %log3A_23 : vector<1024xf32>
    %sub3A_25 = arith.subf %div3A_7, %add3A_24 : vector<1024xf32>
    %reduce_sum3A_26 = vector.shape_cast %sub3A_25 : vector<1024xf32> to vector<1x1024xf32>
    %reduce_sum3A_27 = arith.constant dense<0.000000e+00> : vector<1xf32>
    %reduce_sum3A_28 = vector.multi_reduction <add>, %reduce_sum3A_26, %reduce_sum3A_27 [1] : vector<1x1024xf32> to vector<1xf32>
    %reduce_sum3A_29 = vector.shape_cast %reduce_sum3A_28 : vector<1xf32> to vector<1x1xf32>
    %reduce_sum3A_30 = vector.extract %reduce_sum3A_29[0, 0] : f32 from vector<1x1xf32>
    %neg3A = arith.constant 0.000000e+00 : f32
    %neg3A_31 = arith.subf %neg3A, %reduce_sum3A_30 : f32
    %div3A_32 = arith.constant 1.024000e+03 : f32
    %div3A_33 = arith.divf %neg3A_31, %div3A_32 : f32
    %broadcast_in_dim3A_34 = vector.shape_cast %add3A : vector<1024xf32> to vector<1024x1xf32>
    %sub3A_35 = vector.broadcast %broadcast_in_dim3A_34 : vector<1024x1xf32> to vector<1024x1024xf32>
    %sub3A_36 = arith.subf %mul3A_13, %sub3A_35 : vector<1024x1024xf32>
    %max3A_37 = arith.constant 0.000000e+00 : f32
    %max3A_38 = vector.broadcast %max3A_37 : f32 to vector<1024x1024xf32>
    %max3A_39 = arith.maximumf %sub3A_36, %max3A_38 : vector<1024x1024xf32>
    %abs3A = math.absf %sub3A_36 : vector<1024x1024xf32>
    %neg3A_40 = arith.constant 0.000000e+00 : f32
    %neg3A_41 = vector.broadcast %neg3A_40 : f32 to vector<1024x1024xf32>
    %neg3A_42 = arith.subf %neg3A_41, %abs3A : vector<1024x1024xf32>
    %exp3A_43 = math.exp %neg3A_42 : vector<1024x1024xf32>
    %add3A_44 = arith.constant 1.000000e+00 : f32
    %add3A_45 = vector.broadcast %add3A_44 : f32 to vector<1024x1024xf32>
    %add3A_46 = arith.addf %add3A_45, %exp3A_43 : vector<1024x1024xf32>
    %log3A_47 = math.log %add3A_46 : vector<1024x1024xf32>
    %add3A_48 = arith.addf %max3A_39, %log3A_47 : vector<1024x1024xf32>
    %reduce_sum3A_49 = vector.shape_cast %add3A_48 : vector<1024x1024xf32> to vector<1x1024x1024xf32>
    %reduce_sum3A_50 = arith.constant dense<0.000000e+00> : vector<1xf32>
    %reduce_sum3A_51 = vector.multi_reduction <add>, %reduce_sum3A_49, %reduce_sum3A_50 [1, 2] : vector<1x1024x1024xf32> to vector<1xf32>
    %reduce_sum3A_52 = vector.shape_cast %reduce_sum3A_51 : vector<1xf32> to vector<1x1x1xf32>
    %reduce_sum3A_53 = vector.extract %reduce_sum3A_52[0, 0, 0] : f32 from vector<1x1x1xf32>
    %div3A_54 = arith.constant 1.024000e+03 : f32
    %div3A_55 = arith.divf %reduce_sum3A_53, %div3A_54 : f32
    %add3A_56 = arith.addf %div3A_33, %div3A_55 : f32
    %reshape3A = vector.broadcast %add3A_56 : f32 to vector<1x1xf32>
    %swap3A = arith.constant 0 : index
    %swap3A_57 = arith.constant 0 : index
    %swap3A_58 = vector.load %arg3[%swap3A, %swap3A_57] : memref<1x1xf32, #tpu.memory_space<vmem>>, vector<1x1xf32>
    tpu.vector_store %arg3[%swap3A, %swap3A_57], %reshape3A {strides = array<i32>} : memref<1x1xf32, #tpu.memory_space<vmem>>, vector<1x1xf32>,
    %reshape3A_59 = vector.broadcast %div3A_33 : f32 to vector<1x1xf32>
    %swap3A_60 = arith.constant 0 : index
    %swap3A_61 = arith.constant 0 : index
    %swap3A_62 = vector.load %arg5[%swap3A_60, %swap3A_61] : memref<1x1xf32, #tpu.memory_space<vmem>>, vector<1x1xf32>
    tpu.vector_store %arg5[%swap3A_60, %swap3A_61], %reshape3A_59 {strides = array<i32>} : memref<1x1xf32, #tpu.memory_space<vmem>>, vector<1x1xf32>,
    %reshape3A_63 = vector.broadcast %div3A_55 : f32 to vector<1x1xf32>
    %swap3A_64 = arith.constant 0 : index
    %swap3A_65 = arith.constant 0 : index
    %swap3A_66 = vector.load %arg6[%swap3A_64, %swap3A_65] : memref<1x1xf32, #tpu.memory_space<vmem>>, vector<1x1xf32>
    tpu.vector_store %arg6[%swap3A_64, %swap3A_65], %reshape3A_63 {strides = array<i32>} : memref<1x1xf32, #tpu.memory_space<vmem>>, vector<1x1xf32>,
    %mul3A_67 = arith.constant 5.000000e-01 : f32
    %mul3A_68 = vector.broadcast %mul3A_67 : f32 to vector<1024x128xf32>
    %mul3A_69 = arith.mulf %mul3A_68, %get3A_4 : vector<1024x128xf32>
    %mul3A_70 = arith.constant 5.000000e-01 : f32
    %mul3A_71 = vector.broadcast %mul3A_70 : f32 to vector<1024x128xf32>
    %mul3A_72 = arith.mulf %mul3A_71, %get3A_1 : vector<1024x128xf32>
    %add3A_73 = arith.addf %mul3A_69, %mul3A_72 : vector<1024x128xf32>
    %mul3A_74 = arith.mulf %add3A_73, %add3A_73 : vector<1024x128xf32>
    %reduce_sum3A_75 = arith.constant dense<0.000000e+00> : vector<1024xf32>
    %reduce_sum3A_76 = vector.multi_reduction <add>, %mul3A_74, %reduce_sum3A_75 [1] : vector<1024x128xf32> to vector<1024xf32>
    %broadcast_in_dim3A_77 = vector.shape_cast %reduce_sum3A_76 : vector<1024xf32> to vector<1024x1xf32>
    %sqrt3A = math.sqrt %broadcast_in_dim3A_77 : vector<1024x1xf32>
    %max3A_78 = arith.constant 9.99999996E-13 : f32
    %max3A_79 = vector.broadcast %max3A_78 : f32 to vector<1024x1xf32>
    %max3A_80 = arith.maximumf %sqrt3A, %max3A_79 : vector<1024x1xf32>
    %div3A_81 = vector.broadcast %max3A_80 : vector<1024x1xf32> to vector<1024x128xf32>
    %div3A_82 = arith.divf %add3A_73, %div3A_81 : vector<1024x128xf32>
    %swap3A_83 = arith.constant 0 : index
    %swap3A_84 = arith.constant 0 : index
    %swap3A_85 = vector.load %arg4[%swap3A_83, %swap3A_84] : memref<1024x128xf32, #tpu.memory_space<vmem>>, vector<1024x128xf32>
    tpu.vector_store %arg4[%swap3A_83, %swap3A_84], %div3A_82 {strides = array<i32>} : memref<1024x128xf32, #tpu.memory_space<vmem>>, vector<1024x128xf32>,
    return
  }
}

module attributes {stable_mosaic.version = 14 : i64} {
  func.func @_emb_body(%arg0: i32, %arg1: memref<256x2048xf32, #tpu.memory_space<vmem>>, %arg2: memref<2048x128xf32, #tpu.memory_space<vmem>>, %arg3: memref<1x128xf32, #tpu.memory_space<vmem>>, %arg4: memref<256x128xf32, #tpu.memory_space<vmem>>) attributes {dimension_semantics = [#tpu.dimension_semantics<arbitrary>], iteration_bounds = array<i64: 4>, scalar_prefetch = 0 : i64, scratch_operands = 0 : i64, tpu.core_type = #tpu.core_type<tc>, window_params = [{transform_indices = @transform_0, window_bounds = array<i64: 256, 2048>}, {pipeline_mode = #tpu.pipeline_mode<synchronous>, transform_indices = @transform_1, window_bounds = array<i64: 2048, 128>}, {pipeline_mode = #tpu.pipeline_mode<synchronous>, transform_indices = @transform_2, window_bounds = array<i64: 1, 128>}, {transform_indices = @transform_3, window_bounds = array<i64: 256, 128>}]} {
    %get3A = arith.constant 0 : index
    %get3A_0 = arith.constant 0 : index
    %get3A_1 = vector.load %arg1[%get3A, %get3A_0] : memref<256x2048xf32, #tpu.memory_space<vmem>>, vector<256x2048xf32>
    %get3A_2 = arith.constant 0 : index
    %get3A_3 = arith.constant 0 : index
    %get3A_4 = vector.load %arg2[%get3A_2, %get3A_3] : memref<2048x128xf32, #tpu.memory_space<vmem>>, vector<2048x128xf32>
    %dot_general3A = arith.constant dense<0.000000e+00> : vector<256x128xf32>
    %dot_general3A_5 = tpu.matmul %get3A_1, %get3A_4, %dot_general3A {dimension_numbers = #tpu.dot_dimension_numbers<[1], [0], [0], [1], [0, 0, 1, 1], [], []>, transpose_lhs_hint = false} : vector<256x2048xf32>, vector<2048x128xf32>, vector<256x128xf32> -> vector<256x128xf32>
    %get3A_6 = arith.constant 0 : index
    %get3A_7 = arith.constant 0 : index
    %get3A_8 = vector.load %arg3[%get3A_6, %get3A_7] : memref<1x128xf32, #tpu.memory_space<vmem>>, vector<1x128xf32>
    %add3A = vector.broadcast %get3A_8 : vector<1x128xf32> to vector<256x128xf32>
    %add3A_9 = arith.addf %dot_general3A_5, %add3A : vector<256x128xf32>
    %mul3A = arith.mulf %add3A_9, %add3A_9 : vector<256x128xf32>
    %reduce_sum3A = arith.constant dense<0.000000e+00> : vector<256xf32>
    %reduce_sum3A_10 = vector.multi_reduction <add>, %mul3A, %reduce_sum3A [1] : vector<256x128xf32> to vector<256xf32>
    %broadcast_in_dim3A = vector.shape_cast %reduce_sum3A_10 : vector<256xf32> to vector<256x1xf32>
    %sqrt3A = math.sqrt %broadcast_in_dim3A : vector<256x1xf32>
    %max3A = arith.constant 9.99999996E-13 : f32
    %max3A_11 = vector.broadcast %max3A : f32 to vector<256x1xf32>
    %max3A_12 = arith.maximumf %sqrt3A, %max3A_11 : vector<256x1xf32>
    %div3A = vector.broadcast %max3A_12 : vector<256x1xf32> to vector<256x128xf32>
    %div3A_13 = arith.divf %add3A_9, %div3A : vector<256x128xf32>
    %swap3A = arith.constant 0 : index
    %swap3A_14 = arith.constant 0 : index
    %swap3A_15 = vector.load %arg4[%swap3A, %swap3A_14] : memref<256x128xf32, #tpu.memory_space<vmem>>, vector<256x128xf32>
    tpu.vector_store %arg4[%swap3A, %swap3A_14], %div3A_13 {strides = array<i32>} : memref<256x128xf32, #tpu.memory_space<vmem>>, vector<256x128xf32>,
    return
  }
  func.func @transform_0(%arg0: i32) -> (i32, i32) {
    %c0_i32 = arith.constant 0 : i32
    %c0_i32_0 = arith.constant 0 : i32
    return %arg0, %c0_i32 : i32, i32
  }
  func.func @transform_1(%arg0: i32) -> (i32, i32) {
    %c0_i32 = arith.constant 0 : i32
    %c0_i32_0 = arith.constant 0 : i32
    %c0_i32_1 = arith.constant 0 : i32
    return %c0_i32, %c0_i32_0 : i32, i32
  }
  func.func @transform_2(%arg0: i32) -> (i32, i32) {
    %c0_i32 = arith.constant 0 : i32
    %c0_i32_0 = arith.constant 0 : i32
    %c0_i32_1 = arith.constant 0 : i32
    return %c0_i32, %c0_i32_0 : i32, i32
  }
  func.func @transform_3(%arg0: i32) -> (i32, i32) {
    %c0_i32 = arith.constant 0 : i32
    %c0_i32_0 = arith.constant 0 : i32
    return %arg0, %c0_i32 : i32, i32
  }
}

</mosaic_0001>

<sc_bundles>
// kernel: kernel.5.cloned.1.call-start
scs
__scs_entry_jumppad:
0x0: {  	(pc) =	sbr.rel $0x88, $3  }
0x1: {  	(tag) =	ssettag $0x0;
	lr =	simm.s32 $0x1  }
0x2: {  	[smem:$0x3F9B] =	sst lr;
	_ =	strace $0xD0000000  }
0x3: {  	_ = 	snop  }
0x4: {  	_ = 	snop  }
0x5: {  	_ = 	snop  }
0x6: {  	_ = 	snop  }
0x7: {  	_ = 	snop  }
__scs_overlays_trampoline_lowered:
0x8: {  	[smem:$0x3FAA] =	sst s0  }
0x9: {  	[smem:$0x3FAB] =	sst s1  }
0xa: {  	[smem:$0x3FAC] =	sst s2  }
0xb: {  	[smem:$0x3FAD] =	sst s3  }
0xc: {  	[smem:$0x3FAE] =	sst s4  }
0xd: {  	[smem:$0x3FAF] =	sst s5  }
0xe: {  	[smem:$0x3FB0] =	sst s6  }
0xf: {  	[smem:$0x3FB1] =	sst s7  }
0x10: {  	[smem:$0x3FB2] =	sst s8  }
0x11: {  	[smem:$0x3FB3] =	sst s9;
	s0 =	simm.s32 @!p0 $0x0  }
0x12: {  	s1 =	sld [smem:$0x3F99];
	s0 =	simm.s32 @p0 $0x1  }
0x13: {  	[smem:$0x3FB4] =	sst s0;
	s0 =	simm.s32 @!p1 $0x0  }
0x14: {  	s2 =	sld [smem:$0x3F98];
	s0 =	simm.s32 @p1 $0x1  }
0x15: {  	[smem:$0x3FB5] =	sst s0;
	s0 =	simm.s32 @!p2 $0x0  }
0x16: {  	s3 =	sld [smem:$0x3FDB];
	s0 =	simm.s32 @p2 $0x1  }
0x17: {  	s4 =	simm.s32 $0x1BF5;
	[smem:$0x3FB7] =	sst s0  }
0x18: {  	s0 =	sld [smem:$0x3F9A];
	_ =	swait.ge [sflag:s4], $0x0  }
0x19: {  	s7 =	sld [smem:$0x3F9B]  }
0x1a: {  	s8 =	sadd.s32 $0xFFFFE003, lr  }
0x1b: {  	s9 =	sadd.s32 $0xFFFFFEF7, lr;
	s5 =	simm.s32 $0xFFFFFFFF;
	p2 =	slt.u32 s8, $0xFFFFF086  }
0x1c: {  	p1 =	slt.u32 s9, $0xF7A;
	s5 =	simm.s32 @!p2 $0x0  }
0x1d: {  	s5 =	simm.s32 @p1 $0x1;
	p0 =	seq.s32 s7, s2  }
0x1e: {  	s7 =	smul.u32 @!p0 $0xF7A, s2;
	p2 =	seq.s32 @!p0 s5, $0x0  }
0x1f: {  	s9 =	smul.u32 $0xF7A, s1;
	s8 =	simm.s32 @!p0 $0x1BF5;
	p2 =	por !p2, p0  }
0x20: {  	[sflag:s8] =	ssyncset.s32 @!p0 $0xFFFFF086;
	s6 =	sadd.s32 @!p0 s3, s7;
	s7 =	simm.s32 @!p0 $0x108  }
0x21: {  	s3 =	sadd.s32 s3, s9;
	s6 =	sadd.s32 @!p0 $0x88, s6;
	s7 =	simm.s32 @p2 $0x1082  }
0x22: {  	[simem:s7], [sflag:s8] =	dma.local @!p0 [hbm:s6], $0xF7A  }
0x23: {  	s9 =	sor.u32 $0xD0000000, s2;
	s6 =	simm.s32 $0x108;
	_ =	swait.ge @!p0 [sflag:s8], $0x0  }
0x24: {  	s3 =	sadd.s32 $0x88, s3;
	s6 =	simm.s32 @!p1 $0x1082;
	[sflag:s4] =	ssyncset.s32 $0xFFFFF086  }
0x25: {  	[simem:s6], [sflag:s4] =	dma.local [hbm:s3], $0xF7A  }
0x26: {  	[smem:$0x3F9B] =	sst s1;
	(tag) =	ssettag s2;
	_ =	strace s9  }
0x27: {  	s1 =	sld [smem:$0x3FAB]  }
0x28: {  	s2 =	sld [smem:$0x3FAC]  }
0x29: {  	s4 =	sld [smem:$0x3FAE]  }
0x2a: {  	p0 =	seq.s32 s5, $0x0;
	s5 =	sld [smem:$0x3FAF]  }
0x2b: {  	s6 =	sld [smem:$0x3FB0]  }
0x2c: {  	s7 =	sld [smem:$0x3FB1]  }
0x2d: {  	s3 =	simm.s32 $0x108;
	s8 =	sld [smem:$0x3FB2]  }
0x2e: {  	s3 =	simm.s32 @!p0 $0x1082;
	s9 =	sld [smem:$0x3FB3]  }
0x2f: {  	lr =	sadd.s32 s0, s3;
	s0 =	sld [smem:$0x3FAA]  }
0x30: {  	s3 =	sld [smem:$0x3FAD]  }
0x31: {  	[smem:$0x3FB6] =	sst s10  }
0x32: {  	s10 =	sld [smem:$0x3FB4];
	_ =	sdelay $0x3  }
0x33: {  	p0 =	seq.s32 s10, $0x1;
	s10 =	sld [smem:$0x3FB6];
	_ =	sdelay $0x3  }
0x34: {  	[smem:$0x3FB6] =	sst s10  }
0x35: {  	s10 =	sld [smem:$0x3FB5];
	_ =	sdelay $0x3  }
0x36: {  	p1 =	seq.s32 s10, $0x1;
	s10 =	sld [smem:$0x3FB6];
	_ =	sdelay $0x3  }
0x37: {  	[smem:$0x3FB6] =	sst s10  }
0x38: {  	s10 =	sld [smem:$0x3FB7]  }
0x39: {  	_ = 	snop;
	(pc) =	sbr.ind lr, $3  }
0x3a: {  	_ = 	snop  }
0x3b: {  	_ = 	snop  }
0x3c: {  	p2 =	seq.s32 s10, $0x1;
	s10 =	sld [smem:$0x3FB6]  }
0x3d: {  	_ =	shalt  }
0x3e: {  	_ =	shalt  }
0x3f: {  	_ =	shalt  }
0x40: {  	_ =	shalt  }
0x41: {  	_ =	shalt  }
0x42: {  	_ =	shalt  }
0x43: {  	_ =	shalt  }
0x44: {  	_ =	shalt  }
0x45: {  	_ =	shalt  }
0x46: {  	_ =	shalt  }
0x47: {  	_ =	shalt  }
0x48: {  	_ =	shalt  }
0x49: {  	_ =	shalt  }
0x4a: {  	_ =	shalt  }
0x4b: {  	_ =	shalt  }
0x4c: {  	_ =	shalt  }
0x4d: {  	_ =	shalt  }
0x4e: {  	_ =	shalt  }
0x4f: {  	_ =	shalt  }
0x50: {  	_ =	shalt  }
0x51: {  	_ =	shalt  }
0x52: {  	_ =	shalt  }
0x53: {  	_ =	shalt  }
0x54: {  	_ =	shalt  }
0x55: {  	_ =	shalt  }
0x56: {  	_ =	shalt  }
0x57: {  	_ =	shalt  }
0x58: {  	_ =	shalt  }
0x59: {  	_ =	shalt  }
0x5a: {  	_ =	shalt  }
0x5b: {  	_ =	shalt  }
0x5c: {  	_ =	shalt  }
0x5d: {  	_ =	shalt  }
0x5e: {  	_ =	shalt  }
0x5f: {  	_ =	shalt  }
0x60: {  	_ =	shalt  }
0x61: {  	_ =	shalt  }
0x62: {  	_ =	shalt  }
0x63: {  	_ =	shalt  }
0x64: {  	_ =	shalt  }
0x65: {  	_ =	shalt  }
0x66: {  	_ =	shalt  }
0x67: {  	_ =	shalt  }
0x68: {  	_ =	shalt  }
0x69: {  	_ =	shalt  }
0x6a: {  	_ =	shalt  }
0x6b: {  	_ =	shalt  }
0x6c: {  	_ =	shalt  }
0x6d: {  	_ =	shalt  }
0x6e: {  	_ =	shalt  }
0x6f: {  	_ =	shalt  }
0x70: {  	_ =	shalt  }
0x71: {  	_ =	shalt  }
0x72: {  	_ =	shalt  }
0x73: {  	_ =	shalt  }
0x74: {  	_ =	shalt  }
0x75: {  	_ =	shalt  }
0x76: {  	_ =	shalt  }
0x77: {  	_ =	shalt  }
0x78: {  	_ =	shalt  }
0x79: {  	_ =	shalt  }
0x7a: {  	_ =	shalt  }
0x7b: {  	_ =	shalt  }
0x7c: {  	_ =	shalt  }
0x7d: {  	_ =	shalt  }
0x7e: {  	_ =	shalt  }
0x7f: {  	_ =	shalt  }
0x80: {  	_ =	shalt  }
0x81: {  	_ =	shalt  }
0x82: {  	_ =	shalt  }
0x83: {  	_ =	shalt  }
0x84: {  	_ =	shalt  }
0x85: {  	_ =	shalt  }
0x86: {  	_ =	shalt  }
0x87: {  	_ =	shalt  }
.Lfunc_end0:
.L_simem_size_0:
called_computation_lowered:
.L_overlay_start_0:
0x88: {  	s2 =	sld [smem:$0x3FD9]  }
0x89: {  	s3 =	sld [smem:$0x3FFE];
	_ =	sdelay $0x1  }
0x8a: {  	s1 =	srdreg.scid  }
0x8b: {  	s0 =	sand.u32 $0x1, s1  }
0x8c: {  	s14 =	sshll.u32 s0, $0xA;
	s2 =	sadd.s32 s3, s2  }
0x8d: {  	s2 =	sadd.s32 s2, s14  }
0x8e: {  	[smem:$0x3FC2] =	sst s2  }
0x8f: {  	_ = 	snop  }
0x90: {  	s2 =	sld [smem:$0x3FD0];
	_ =	sdelay $0x1  }
0x91: {  	s15 =	sld [smem:$0x3FC8]  }
0x92: {  	s5 =	simm.s32 $0xA;
	s6 =	simm.s32 $0x10;
	s4 =	sld [smem:$0x3FC7]  }
0x93: {  	[smem:s6], [sflag:s5] =	dma.local [hbm:s2], $0x1  }
0x94: {  	_ =	swait.eq [sflag:s5], $0x1  }
0x95: {  	[sflag:s5] =	ssyncset.done $0x0  }
0x96: {  	[sflag:s5] =	ssyncadd.s32 $0xFFFFFFFF  }
0x97: {  	s16 =	sld [smem:$0x11];
	(tm) =	ssettm $0x1  }
0x98: {  	s17 =	sld [smem:$0x3FFB];
	_ =	sdelay $0x3  }
0x99: {  	_ =	strace s17  }
0x9a: {  	s5 =	sld [smem:$0x3FFC];
	_ =	sdelay $0x3  }
0x9b: {  	_ =	strace s5  }
0x9c: {  	s5 =	sld [smem:$0x3FFD];
	_ =	sdelay $0x3  }
0x9d: {  	_ =	strace s5  }
0x9e: {  	_ =	strace $0x8FFFFFFF  }
0x9f: {  	s18 =	sld [smem:$0x3FDB];
	_ =	sdelay $0x1  }
0xa0: {  	s19 =	simm.s32 $_scs_section_size  }
0xa1: {  	s7 =	simm.s32 $_size__tile_overlayer_lowered;
	s8 =	simm.s32 $_tile_overlayer_lowered  }
0xa2: {  	s22 =	simm.s32 $0x1BFF;
	s21 =	sshll.u32 s8, $0x1;
	s5 =	sadd.s32 s19, s18  }
0xa3: {  	s9 =	simm.s32 $0x0;
	s20 =	sshll.u32 s7, $0x1;
	s7 =	sadd.s32 s21, s5  }
0xa4: {  	[timem:s9], [sflag:s22] =	dma.local [hbm:s7], s20  }
0xa5: {  	_ =	swait.ge [sflag:s22], s20  }
0xa6: {  	s6 =	ssub.s32 $0x0, s20;
	[sflag:s22] =	ssyncset.done $0x0  }
0xa7: {  	[sflag:s22] =	ssyncadd.s32 s6;
	_ =	sdelay $0x1  }
0xa8: {  	s23 =	simm.s32 $0x1B8B  }
0xa9: {  	_ =	swait.ge [sflag:s23], $0x1  }
0xaa: {  	[sflag:s23] =	ssyncset.done $0x0  }
0xab: {  	s25 =	simm.s32 $0x1B8E;
	s24 =	sld [smem:$0x3FFE];
	[sflag:s23] =	ssyncadd.s32 $0xFFFFFFFF  }
0xac: {  	s26 =	simm.s32 $execute0_lowered;
	[smem:$0x3FD2] =	sst s25  }
0xad: {  	s7 =	sshll.u32 s26, $0x1;
	_ =	strace $0x80000046;
	[dreg:$0x1] =	wrdreg $0xFFFFFFFF  }
0xae: {  	s28 =	simm.s32 $_size_execute0_lowered;
	s5 =	sadd.s32 s5, s7;
	[dreg:$0x0] =	wrdreg $0x0  }
0xaf: {  	s7 =	sshll.u32 s28, $0x1;
	[dreg:$0x2] =	wrdreg s5  }
0xb0: {  	[dreg:$0x3] =	wrdreg s7  }
0xb1: {  	[dreg:$0x4] =	wrdreg $0xC0  }
0xb2: {  	_ =	task [dreg:s9], $0x5FFFF  }
0xb3: {  	[dreg:$0x1] =	wrdreg $0xFFFFFFFF  }
0xb4: {  	[dreg:$0x0] =	wrdreg $0x60  }
0xb5: {  	[dreg:$0x2] =	wrdreg s4  }
0xb6: {  	[dreg:$0x3] =	wrdreg s16  }
0xb7: {  	[dreg:$0x4] =	wrdreg s15  }
0xb8: {  	[dreg:$0x5] =	wrdreg s24  }
0xb9: {  	[dreg:$0x6] =	wrdreg $0x9  }
0xba: {  	_ =	task.clear_ibuf [dreg:s9], $0x7FFFF;
	_ =	strace $0x90000046  }
0xbb: {  	s29 =	simm.s32 $0x9;
	_ =	strace $0x80000048  }
0xbc: {  	_ =	swait.ge [sflag:s29], $0x1  }
0xbd: {  	[sflag:s29] =	ssyncadd.s32 $0xFFFFFFFF  }
0xbe: {  	_ =	strace $0x90000048  }
0xbf: {  	_ =	sfence  }
0xc0: {  	s30 =	sld [smem:$0x0];
	_ =	sdelay $0x2  }
0xc1: {  	s31 =	sshll.u32 s1, $0xD;
	s1 =	sshrl.u32 s1, $0x2  }
0xc2: {  	s3 =	sand.u32 $0x4000, s31;
	s1 =	sadd.s32 s1, s30  }
0xc3: {  	s0 =	sor.u32 s3, s0;
	s1 =	sshll.u32 s1, $0x11  }
0xc4: {  	s0 =	sor.u32 s1, s0  }
0xc5: {  	s0 =	sadd.s32 $0x8F2B, s0  }
0xc6: {  	[sflag:s0] =	ssyncadd.remote.s32 $0x1  }
0xc7: {  	_ =	sfence.sel $0xFFFF  }
0xc8: {  	[dreg:$0x0] =	wrdreg $0xFFFFFFFF;
	(pc) =	sbr.abs _section_cstart, $3  }
0xc9: {  	[dreg:$0x1] =	wrdreg $0xFFFFFFFF  }
0xca: {  	_ =	task.clear_ibuf [dreg:s9], $0x2FFFF;
	_ =	strace $0x9FFFFFFF  }
0xcb: {  	(tm) =	ssettm $0x7FFFFFFF  }
tec
execute0_lowered:
.L_overlay_start_1:
0x0: {  	(tag) =	ssettag $0x1  }
0x1: {  	s1 =	rddreg [dreg:$0x0]  }
0x2: {  	s0 =	rddreg [dreg:$0x1]  }
0x3: {  	s2 =	rddreg [dreg:$0x2]  }
0x4: {  	s12 =	rddreg [dreg:$0x3]  }
0x5: {  	s4 =	srdreg.scid;
	s5 =	stileid.u32;
	s3 =	simm.s32 $0x0  }
0x6: {  	s14 =	simm.s32 $0x7;
	s15 =	simm.s32 $0x80;
	s16 =	simm.s32 $0x1  }
0x7: {  	s13 =	simm.s32 $0x9E00;
	s21 =	simm.s32 $0x2;
	s22 =	simm.s32 $0x4100  }
0x8: {  	s23 =	simm.s32 $0x3;
	s24 =	simm.s32 $0x6;
	s25 =	simm.s32 $0x9500  }
0x9: {  	v0 =	vlaneseq.u32;
	s26 =	simm.s32 $0x5;
	s4 =	sand.u32 $0x1, s4;
	s5 =	sshll.u32 s5, $0x1  }
0xa: {  	s28 =	simm.s32 $0x0;
	[smem:$0x7FF] =	sst s3;
	v0 =	vmul.u32 $0x11, v0;
	s7 =	sor.u32 s4, s5  }
0xb: {  	_ =	strace $0x80000047;
	s4 =	ssub.s32 $0x2, s4;
	s5 =	sshll.u32 s7, $0xC  }
0xc: {  	s30 =	sshll.u32 s7, $0x9;
	s6 =	sshrl.u32 s4, $0x1;
	s31 =	sshll.u32 s7, $0x2;
	v1 =	vadd.s32 $0x1, v0;
	v2 =	vadd.s32 $0x2, v0;
	v3 =	vadd.s32 $0x3, v0  }
0xd: {  	v4 =	vadd.s32 $0x4, v0;
	v5 =	vadd.s32 $0x5, v0;
	v6 =	vadd.s32 $0x6, v0;
	s9 =	sadd.s32 s5, s12;
	s10 =	sadd.s32 s30, s12;
	s11 =	ssub.s32 s4, s6  }
0xe: {  	v7 =	vadd.s32 $0x7, v0;
	v8 =	vadd.s32 $0x8, v0;
	v9 =	vadd.s32 $0x9, v0;
	s4 =	sshll.u32 s7, $0x8;
	s5 =	sadd.s32 s0, s30;
	s8 =	sadd.s32 s2, s31  }
0xf: {  	v10 =	vadd.s32 $0xA, v0;
	v11 =	vadd.s32 $0xB, v0;
	v12 =	vadd.s32 $0xC, v0;
	s12 =	sadd.s32 $0x1820, s12;
	s6 =	sadd.s32 $0x1800, s9;
	s7 =	sadd.s32 $0x1810, s9  }
0x10: {  	v13 =	vadd.s32 $0xD, v0;
	v14 =	vadd.s32 $0xE, v0;
	v15 =	vadd.s32 $0xF, v0;
	s9 =	sadd.s32 $0x21800, s9;
	s10 =	sadd.s32 $0x41800, s10;
	s11 =	smax.u32 s11, $0x1  }
.LBB2_1:
0x11: {  	s0 =	simm.s32 $0x8100  }
0x12: {  	[tilespmem:s0], [sflag:$0x7] =	stream.linear.gather [hbm4b:s5+s3], $0x1000, $0x38;
	[tilespmem:$0xAE00] =	vst v63  }
0x13: {  	_ =	swait.ge [sflag:s14], $0x1000  }
0x14: {  	[sflag:s14] =	ssyncset.done $0x0  }
0x15: {  	[sflag:s14] =	ssyncadd.s32 $0xFFFFF000  }
0x16: {  	[tilespmem:s3], [sflag:$0x1] =	stream.linear.gather [hbm4b:s6+s3], $0x80, $0x38;
	[tilespmem:$0xAE00] =	vst v63  }
0x17: {  	_ = 	snop  }
0x18: {  	[tilespmem:s15], [sflag:$0x2] =	stream.linear.gather [hbm4b:s7+s3], $0x80, $0x38;
	[tilespmem:$0xAE00] =	vst v63  }
0x19: {  	_ =	swait.ge [sflag:s16], $0x80  }
0x1a: {  	[sflag:s16] =	ssyncset.done $0x0  }
0x1b: {  	s20 =	simm.s32 $0x100;
	[sflag:s16] =	ssyncadd.s32 $0xFFFFFF80  }
0x1c: {  	[tilespmem:s20], [sflag:$0x3] =	stream.indirect.gather [hbm4b:s1+s15], $0x80, s3, s15, $0xb8;
	[tilespmem:$0xAE00] =	vst v63  }
0x1d: {  	s31 =	simm.s32 $0x9D80  }
0x1e: {  	[tilespmem:s31], [sflag:$0x7] =	stream.linear.gather [hbm4b:s8+s3], $0x20, $0x38;
	[tilespmem:$0xAE00] =	vst v63  }
0x1f: {  	_ =	swait.ge [sflag:s14], $0x20  }
0x20: {  	s2 =	simm.s32 $0x20;
	[sflag:s14] =	ssyncset.done $0x0  }
0x21: {  	s29 =	simm.s32 $0x0;
	s30 =	simm.s32 $0x0;
	[sflag:s14] =	ssyncadd.s32 $0xFFFFFFE0  }
0x22: {  	[tilespmem:s13], [sflag:$0x6] =	stream.indirect.gather [hbm4b:s1+s2], $0x80, s31, s2, $0xb8;
	[tilespmem:$0xAE00] =	vst v63  }
.LBB2_2:
0x23: {  	_ =	swait.ge [sflag:s21], $0x80;
	p0 =	seq.s32 s30, $0x7F  }
0x24: {  	[sflag:s21] =	ssyncset.done $0x0;
	s31 =	sshrl.u32 @!p0 s30, $0x2  }
0x25: {  	s0 =	sshll.u32 s30, $0x1;
	[sflag:s21] =	ssyncadd.s32 $0xFFFFFF80;
	p1 =	seq.s32 @!p0 s31, $0x0  }
0x26: {  	[tilespmem:s22], [sflag:$0x4] =	stream.indirect.gather [hbm4b:s1+s15], $0x80, s15, s15, $0xb8;
	[tilespmem:$0xAE00] =	vst v63  }
0x27: {  	s2 =	sadd.s32 @!p0 s4, s0;
	s17 =	sand.u32 @!p0 $0x6, s0;
	p2 =	por p1, p0  }
0x28: {  	s13 =	simm.s32 @!p0 $0x0;
	_ =	swait.ge [sflag:s23], $0x4000;
	p2 =	sne.s32 @!p2 s17, $0x0  }
0x29: {  	s2 =	sshll.u32 @!p0 s2, $0x4;
	[sflag:s23] =	ssyncset.done $0x0;
	p3 =	por @!p0 p2, p1  }
0x2a: {  	s2 =	sadd.s32 @!p0 s12, s2;
	[sflag:s23] =	ssyncadd.s32 $0xFFFFC000;
	p3 =	por p3, p0  }
0x2b: {  	[tilespmem:s13], [sflag:$0x1] =	stream.linear.gather @!p0 [hbm4b:s2+s13], $0x80, $0x38;
	[tilespmem:$0xAE00] =	vst v63  }
0x2c: {  	s0 =	simm.s32 @!p3 $0x5  }
0x2d: {  	_ =	swait.ge @!p3 [sflag:s0], $0x400  }
0x2e: {  	s31 =	simm.s32 @p0 $0x1F;
	[sflag:s0] =	ssyncset.done @!p3 $0x0  }
0x2f: {  	[sflag:s0] =	ssyncadd.s32 @!p3 $0xFFFFFC00;
	s0 =	sshll.u32 s31, $0x7  }
0x30: {  	v16 =	vld [tilespmem:s0+$0x8100]  }
0x31: {  	v17 =	vld [tilespmem:s0+$0x8110]  }
0x32: {  	v18 =	vld [tilespmem:s0+$0x8120]  }
0x33: {  	v19 =	vld [tilespmem:s0+$0x8130]  }
0x34: {  	v20 =	vld [tilespmem:s0+$0x8140]  }
0x35: {  	v21 =	vld [tilespmem:s0+$0x8150]  }
0x36: {  	s20 =	sand.u32 $0x7, s29;
	v22 =	vld [tilespmem:s0+$0x8160]  }
0x37: {  	s2 =	sshll.u32 s20, $0x7;
	s20 =	simm.s32 $0x300;
	v23 =	vld [tilespmem:s0+$0x8170]  }
0x38: {  	v24 =	vld [tilespmem:s20+$0x180]  }
0x39: {  	v25 =	vld [tilespmem:s20+$0x190]  }
0x3a: {  	v27 =	vld [tilespmem:s20+$0x1A0]  }
0x3b: {  	v28 =	vld [tilespmem:s20+$0x1B0]  }
0x3c: {  	v29 =	vld [tilespmem:s20+$0x1C0]  }
0x3d: {  	v30 =	vld [tilespmem:s20+$0x1D0]  }
0x3e: {  	v31 =	vld [tilespmem:s20+$0x1E0]  }
0x3f: {  	v32 =	vld [tilespmem:s20+$0x1F0]  }
0x40: {  	v26 =	vld [tilespmem:s20+$0xFFFFFE10]  }
0x41: {  	v33 =	vld [tilespmem:s20+$0xFFFFFE20]  }
0x42: {  	v34 =	vld [tilespmem:s20+$0xFFFFFE30]  }
0x43: {  	v35 =	vld [tilespmem:s20+$0xFFFFFE40]  }
0x44: {  	v36 =	vld [tilespmem:s20+$0xFFFFFE50]  }
0x45: {  	v37 =	vld [tilespmem:s20+$0xFFFFFE60]  }
0x46: {  	v38 =	vld [tilespmem:s20+$0xFFFFFE70]  }
0x47: {  	v39 =	vld [tilespmem:s20+$0xFFFFFE80]  }
0x48: {  	v40 =	vld [tilespmem:s20+$0xFFFFFE90]  }
0x49: {  	v41 =	vld [tilespmem:s20+$0xFFFFFEA0]  }
0x4a: {  	v42 =	vld [tilespmem:s20+$0xFFFFFEB0]  }
0x4b: {  	v43 =	vld [tilespmem:s20+$0xFFFFFEC0]  }
0x4c: {  	v44 =	vld [tilespmem:s20+$0xFFFFFED0]  }
0x4d: {  	v45 =	vld [tilespmem:s20+$0xFFFFFEE0]  }
0x4e: {  	v46 =	vld [tilespmem:s20+$0xFFFFFEF0]  }
0x4f: {  	v47 =	vld [tilespmem:s20+$0xFFFFFF00]  }
0x50: {  	v48 =	vld [tilespmem:s20+$0xFFFFFF10]  }
0x51: {  	v49 =	vld [tilespmem:s20+$0xFFFFFF20];
	v24 =	vmul.f32 v24, v16  }
0x52: {  	v50 =	vld [tilespmem:s20+$0xFFFFFF30];
	v25 =	vmul.f32 v25, v17;
	v27 =	vmul.f32 v27, v18  }
0x53: {  	v51 =	vld [tilespmem:s20+$0xFFFFFF40];
	v28 =	vmul.f32 v28, v19;
	v29 =	vmul.f32 v29, v20  }
0x54: {  	v52 =	vld [tilespmem:s20+$0xFFFFFF50];
	v30 =	vmul.f32 v30, v21;
	v31 =	vmul.f32 v31, v22  }
0x55: {  	v32 =	vmul.f32 v32, v23;
	v58 =	vmul.f32 v35, v20;
	v35 =	vld [tilespmem:s20+$0xFFFFFF80]  }
0x56: {  	v59 =	vmul.f32 v36, v21;
	v60 =	vmul.f32 v38, v23;
	v36 =	vld [tilespmem:s20+$0xFFFFFFB0]  }
0x57: {  	v61 =	vmul.f32 v39, v16;
	v62 =	vmul.f32 v40, v17;
	v40 =	vld [tilespmem:s20+$0xFFFFFFC0]  }
0x58: {  	v63 =	vmul.f32 v41, v18;
	v53 =	vmul.f32 v42, v19;
	v41 =	vld [tilespmem:s20+$0xFFFFFFD0]  }
0x59: {  	v55 =	vmul.f32 v46, v23;
	v46 =	vld [tilespmem:s20+$0x10];
	v24 =	vadd.f32 v25, v24;
	v25 =	vadd.f32 v28, v27  }
0x5a: {  	v57 =	vmul.f32 v48, v17;
	v48 =	vld [tilespmem:s20+$0xD0];
	v27 =	vadd.f32 v30, v29;
	v30 =	vadd.f32 v32, v31  }
0x5b: {  	v28 =	vld [tilespmem:s20+$0xFFFFFF60];
	v29 =	vmul.f32 v33, v18;
	v31 =	vmul.f32 v34, v19;
	v33 =	vadd.f32 v62, v61  }
0x5c: {  	v32 =	vld [tilespmem:s20+$0xFFFFFF70];
	v38 =	vadd.f32 v53, v63;
	v27 =	vadd.f32 v30, v27;
	v30 =	vmul.f32 v37, v22  }
0x5d: {  	v54 =	vmul.f32 v45, v22;
	v62 =	vld [tilespmem:s20+$0x20];
	v25 =	vadd.f32 v25, v24;
	v24 =	vadd.f32 v31, v29  }
0x5e: {  	v56 =	vmul.f32 v47, v16;
	v63 =	vld [tilespmem:s20+$0x30];
	v29 =	vadd.f32 v59, v58;
	v30 =	vadd.f32 v60, v30  }
0x5f: {  	v34 =	vadd.f32 v55, v54;
	v61 =	vmul.f32 v52, v21;
	v53 =	vld [tilespmem:s20+$0x70];
	v27 =	vadd.f32 v27, v25  }
0x60: {  	v37 =	vld [tilespmem:s20+$0xFFFFFF90];
	v25 =	vadd.f32 v30, v29;
	v29 =	vmul.f32 v43, v20;
	v30 =	vmul.f32 v44, v21  }
0x61: {  	v39 =	vadd.f32 v57, v56;
	v31 =	vld [tilespmem:s20+$0xFFFFFFA0];
	v58 =	vmul.f32 v49, v18;
	v59 =	vmul.f32 v50, v19  }
0x62: {  	v49 =	vld [tilespmem:s20+$0x40];
	v35 =	vmul.f32 v35, v16;
	v60 =	vmul.f32 v51, v20;
	v29 =	vadd.f32 v30, v29  }
0x63: {  	v33 =	vadd.f32 v38, v33;
	v28 =	vmul.f32 v28, v22;
	v32 =	vmul.f32 v32, v23;
	v43 =	vld [tilespmem:s20+$0xFFFFFFE0]  }
0x64: {  	v52 =	vmul.f32 v36, v19;
	v45 =	vadd.f32 v59, v58;
	v30 =	vld [tilespmem:s20+$0xFFFFFFF0];
	v29 =	vadd.f32 v34, v29  }
0x65: {  	v50 =	vld [tilespmem:s20+$0x50];
	v54 =	vmul.f32 v40, v20;
	v28 =	vadd.f32 v32, v28;
	v34 =	vadd.f32 v61, v60  }
0x66: {  	v55 =	vmul.f32 v41, v21;
	v62 =	vmul.f32 v62, v18;
	v44 =	vld [tilespmem:s20+$0x0];
	v29 =	vadd.f32 v29, v33  }
0x67: {  	v51 =	vld [tilespmem:s20+$0x60];
	v36 =	vmul.f32 v53, v23;
	v33 =	vadd.f32 v45, v39;
	v28 =	vadd.f32 v28, v34  }
0x68: {  	v56 =	vld [tilespmem:s20+$0x80];
	v58 =	vadd.f32 v55, v54;
	v37 =	vmul.f32 v37, v17;
	v31 =	vmul.f32 v31, v18  }
0x69: {  	v57 =	vld [tilespmem:s20+$0x90];
	v30 =	vmul.f32 v30, v23;
	v33 =	vadd.f32 v28, v33;
	v28 =	vmul.f32 v43, v22  }
0x6a: {  	v59 =	vld [tilespmem:s20+$0xA0];
	v47 =	vmul.f32 v49, v20;
	v32 =	vmul.f32 v50, v21;
	v35 =	vadd.f32 v37, v35  }
0x6b: {  	v49 =	vld [tilespmem:s20+$0xE0];
	v31 =	vadd.f32 v52, v31;
	v60 =	vmul.f32 v44, v16;
	v28 =	vadd.f32 v30, v28  }
0x6c: {  	v50 =	vld [tilespmem:s20+$0xF0];
	v32 =	vadd.f32 v32, v47;
	v39 =	vmul.f32 v51, v22;
	v30 =	vmul.f32 v46, v17  }
0x6d: {  	v42 =	vmul.f32 v63, v19;
	v61 =	vld [tilespmem:s20+$0xB0];
	v31 =	vadd.f32 v31, v35;
	v28 =	vadd.f32 v28, v58  }
0x6e: {  	v38 =	vmul.f32 v48, v21;
	v63 =	vld [tilespmem:s20+$0xC0];
	v51 =	vadd.f32 v36, v39;
	v30 =	vadd.f32 v30, v60  }
0x6f: {  	s19 =	simm.s32 $0x9544;
	v53 =	vmul.f32 v57, v17;
	v52 =	vld [tilespmem:s20+$0x100];
	v31 =	vadd.f32 v28, v31;
	v28 =	vadd.f32 v42, v62  }
0x70: {  	v54 =	vld [tilespmem:s20+$0x110];
	[tilespmem:s19+$0x33] =	vst v27;
	v37 =	vmul.f32 v59, v18;
	v27 =	vmul.f32 v49, v22  }
0x71: {  	v57 =	vld [tilespmem:s20+$0x130];
	v32 =	vadd.f32 v51, v32;
	v28 =	vadd.f32 v28, v30;
	v30 =	vmul.f32 v56, v16  }
0x72: {  	v59 =	vmul.f32 v50, v23;
	v55 =	vmul.f32 v61, v19;
	v56 =	vld [tilespmem:s20+$0x120]  }
0x73: {  	p2 =	por @!p0 !p2, p1;
	v39 =	vadd.f32 v53, v30;
	v30 =	vmul.f32 v63, v20;
	v58 =	vadd.f32 v32, v28;
	v28 =	vld [tilespmem:s20+$0x140]  }
0x74: {  	s18 =	smov.u32 s17;
	p2 =	por !p2, p0;
	[tilespmem:s19+$0xFFFFFFCD] =	vst v29;
	v29 =	vld [tilespmem:s20+$0x150];
	v61 =	vmul.f32 v52, v16;
	v34 =	vadd.f32 v55, v37  }
0x75: {  	p1 =	por !p1, p0;
	s18 =	simm.s32 @!p2 $0x0;
	[tilespmem:s19+$0xFFFFFFDE] =	vst v33;
	v62 =	vadd.f32 v59, v27;
	v63 =	vmul.f32 v54, v17;
	v60 =	vadd.f32 v38, v30;
	v30 =	vld [tilespmem:s20+$0x160]  }
0x76: {  	s13 =	sshllo.u32 s30, $0x1;
	s2 =	sadd.s32 $0x9190, s2;
	s17 =	smov.u32 @p1 s18;
	v26 =	vmul.f32 v26, v17;
	v36 =	vmul.f32 v57, v19;
	[tilespmem:s19+$0xFFFFFFEF] =	vst v31;
	v32 =	vld [tilespmem:s20+$0x170];
	v27 =	vadd.f32 v34, v39  }
0x77: {  	s18 =	simm.s32 $0x0;
	s17 =	simm.s32 @p0 $0x6;
	v31 =	vld [tilespmem:s20+$0xFFFFFE00];
	[tilespmem:s19+$0x0] =	vst v58;
	v34 =	vadd.f32 v63, v61;
	s20 =	simm.s32 $0x700;
	v33 =	vmul.f32 v56, v18;
	v35 =	vadd.f32 v62, v60  }
.LBB2_3:
0x78: {  	v37 =	vld [tilespmem:s20+$0x180];
	v28 =	vmul.f32 v28, v20  }
0x79: {  	v38 =	vld [tilespmem:s20+$0x190];
	v27 =	vadd.f32 v35, v27;
	v29 =	vmul.f32 v29, v21;
	v33 =	vadd.f32 v36, v33  }
0x7a: {  	v35 =	vld [tilespmem:s20+$0x1A0];
	v30 =	vmul.f32 v30, v22  }
0x7b: {  	v36 =	vld [tilespmem:s20+$0x1B0];
	[tilespmem:s19+$0x11] =	vst v27;
	v27 =	vmul.f32 v32, v23;
	v32 =	vadd.f32 v33, v34;
	v28 =	vadd.f32 v29, v28  }
0x7c: {  	v29 =	vld [tilespmem:s20+$0x1C0];
	v31 =	vmul.f32 v31, v16  }
0x7d: {  	v33 =	vld [tilespmem:s20+$0x1D0];
	v27 =	vadd.f32 v27, v30  }
0x7e: {  	v30 =	vld [tilespmem:s20+$0x1E0];
	v26 =	vadd.f32 v26, v31  }
0x7f: {  	s18 =	sadd.s32 $0x8, s18;
	v31 =	vld [tilespmem:s20+$0x1F0];
	v27 =	vadd.f32 v27, v28  }
0x80: {  	p0 =	slt.u32 s18, $0x78;
	v28 =	vld [tilespmem:s20+$0xFFFFFE10];
	v24 =	vadd.f32 v24, v26  }
0x81: {  	v37 =	vmul.f32 v37, v16;
	v38 =	vmul.f32 v38, v17;
	v34 =	vld [tilespmem:s20+$0xFFFFFE20];
	v26 =	vadd.f32 v27, v32  }
0x82: {  	v32 =	vmul.f32 v35, v18;
	v35 =	vmul.f32 v36, v19;
	v27 =	vld [tilespmem:s20+$0xFFFFFE30];
	v24 =	vadd.f32 v25, v24  }
0x83: {  	v29 =	vmul.f32 v29, v20;
	v33 =	vmul.f32 v33, v21;
	v25 =	vld [tilespmem:s20+$0xFFFFFE40];
	[tilespmem:s19+$0x22] =	vst v26  }
0x84: {  	v30 =	vmul.f32 v30, v22;
	v36 =	vld [tilespmem:s20+$0xFFFFFE50];
	v31 =	vmul.f32 v31, v23;
	[tilespmem:s19+$0xFFFFFFBC] =	vst v24  }
0x85: {  	v32 =	vadd.f32 v35, v32;
	v24 =	vadd.f32 v38, v37;
	v26 =	vmul.f32 v28, v17;
	v28 =	vld [tilespmem:s20+$0xFFFFFE60]  }
0x86: {  	v29 =	vadd.f32 v33, v29;
	v34 =	vmul.f32 v34, v18;
	v35 =	vld [tilespmem:s20+$0xFFFFFE70];
	v30 =	vadd.f32 v31, v30  }
0x87: {  	v27 =	vmul.f32 v27, v19;
	v31 =	vld [tilespmem:s20+$0xFFFFFE80]  }
0x88: {  	v32 =	vadd.f32 v32, v24;
	v25 =	vmul.f32 v25, v20;
	v33 =	vld [tilespmem:s20+$0xFFFFFE90];
	v29 =	vadd.f32 v30, v29  }
0x89: {  	v30 =	vmul.f32 v36, v21;
	v24 =	vadd.f32 v27, v34;
	v27 =	vld [tilespmem:s20+$0xFFFFFEA0]  }
0x8a: {  	v28 =	vmul.f32 v28, v22;
	v34 =	vld [tilespmem:s20+$0xFFFFFEB0];
	v29 =	vadd.f32 v29, v32  }
0x8b: {  	s19 =	sadd.s32 $0x88, s19;
	v32 =	vmul.f32 v35, v23;
	v25 =	vadd.f32 v30, v25;
	v30 =	vld [tilespmem:s20+$0xFFFFFEC0]  }
0x8c: {  	v31 =	vmul.f32 v31, v16;
	v35 =	vld [tilespmem:s20+$0xFFFFFED0];
	[tilespmem:s19+$0x33] =	vst v29  }
0x8d: {  	v28 =	vadd.f32 v32, v28;
	v29 =	vmul.f32 v33, v17;
	v32 =	vld [tilespmem:s20+$0xFFFFFEE0]  }
0x8e: {  	v27 =	vmul.f32 v27, v18;
	v33 =	vld [tilespmem:s20+$0xFFFFFEF0]  }
0x8f: {  	v25 =	vadd.f32 v28, v25;
	v28 =	vmul.f32 v34, v19;
	v29 =	vadd.f32 v29, v31;
	v31 =	vld [tilespmem:s20+$0xFFFFFF00]  }
0x90: {  	v30 =	vmul.f32 v30, v20;
	v34 =	vld [tilespmem:s20+$0xFFFFFF10]  }
0x91: {  	v35 =	vmul.f32 v35, v21;
	v27 =	vadd.f32 v28, v27;
	v28 =	vld [tilespmem:s20+$0xFFFFFF20]  }
0x92: {  	v32 =	vmul.f32 v32, v22;
	v36 =	vld [tilespmem:s20+$0xFFFFFF30]  }
0x93: {  	v33 =	vmul.f32 v33, v23;
	v27 =	vadd.f32 v27, v29;
	v29 =	vadd.f32 v35, v30;
	v30 =	vld [tilespmem:s20+$0xFFFFFF40]  }
0x94: {  	v31 =	vmul.f32 v31, v16;
	v35 =	vld [tilespmem:s20+$0xFFFFFF50]  }
0x95: {  	v32 =	vadd.f32 v33, v32;
	v33 =	vmul.f32 v34, v17;
	v34 =	vld [tilespmem:s20+$0xFFFFFF60]  }
0x96: {  	v28 =	vmul.f32 v28, v18;
	v37 =	vld [tilespmem:s20+$0xFFFFFF70]  }
0x97: {  	v29 =	vadd.f32 v32, v29;
	v32 =	vmul.f32 v36, v19;
	v31 =	vadd.f32 v33, v31;
	v33 =	vld [tilespmem:s20+$0xFFFFFF80]  }
0x98: {  	v30 =	vmul.f32 v30, v20;
	v36 =	vld [tilespmem:s20+$0xFFFFFF90]  }
0x99: {  	v27 =	vadd.f32 v29, v27;
	v29 =	vmul.f32 v35, v21;
	v28 =	vadd.f32 v32, v28;
	v32 =	vld [tilespmem:s20+$0xFFFFFFA0]  }
0x9a: {  	v34 =	vmul.f32 v34, v22;
	v35 =	vld [tilespmem:s20+$0xFFFFFFB0]  }
0x9b: {  	[tilespmem:s19+$0xFFFFFFCD] =	vst v27;
	v27 =	vmul.f32 v37, v23;
	v28 =	vadd.f32 v28, v31;
	v29 =	vadd.f32 v29, v30;
	v30 =	vld [tilespmem:s20+$0xFFFFFFC0]  }
0x9c: {  	v31 =	vmul.f32 v33, v16;
	v33 =	vld [tilespmem:s20+$0xFFFFFFD0]  }
0x9d: {  	v27 =	vadd.f32 v27, v34;
	v34 =	vmul.f32 v36, v17;
	v36 =	vld [tilespmem:s20+$0xFFFFFFE0]  }
0x9e: {  	v32 =	vmul.f32 v32, v18;
	v37 =	vld [tilespmem:s20+$0xFFFFFFF0]  }
0x9f: {  	v27 =	vadd.f32 v27, v29;
	v29 =	vmul.f32 v35, v19;
	v31 =	vadd.f32 v34, v31;
	v34 =	vld [tilespmem:s20+$0x0]  }
0xa0: {  	v30 =	vmul.f32 v30, v20;
	v35 =	vld [tilespmem:s20+$0x10]  }
0xa1: {  	v27 =	vadd.f32 v27, v28;
	v28 =	vmul.f32 v33, v21;
	v29 =	vadd.f32 v29, v32;
	v32 =	vld [tilespmem:s20+$0x20]  }
0xa2: {  	v33 =	vmul.f32 v36, v22;
	v36 =	vld [tilespmem:s20+$0x30]  }
0xa3: {  	[tilespmem:s19+$0xFFFFFFDE] =	vst v27;
	v27 =	vmul.f32 v37, v23;
	v29 =	vadd.f32 v29, v31;
	v28 =	vadd.f32 v28, v30;
	v30 =	vld [tilespmem:s20+$0x40]  }
0xa4: {  	v31 =	vmul.f32 v34, v16;
	v34 =	vld [tilespmem:s20+$0x50]  }
0xa5: {  	v27 =	vadd.f32 v27, v33;
	v33 =	vmul.f32 v35, v17;
	v35 =	vld [tilespmem:s20+$0x60]  }
0xa6: {  	v32 =	vmul.f32 v32, v18;
	v37 =	vld [tilespmem:s20+$0x70]  }
0xa7: {  	v27 =	vadd.f32 v27, v28;
	v28 =	vmul.f32 v36, v19;
	v31 =	vadd.f32 v33, v31;
	v33 =	vld [tilespmem:s20+$0x80]  }
0xa8: {  	v30 =	vmul.f32 v30, v20;
	v36 =	vld [tilespmem:s20+$0x90]  }
0xa9: {  	v27 =	vadd.f32 v27, v29;
	v29 =	vmul.f32 v34, v21;
	v28 =	vadd.f32 v28, v32;
	v32 =	vld [tilespmem:s20+$0xA0]  }
0xaa: {  	v34 =	vmul.f32 v35, v22;
	v35 =	vld [tilespmem:s20+$0xB0]  }
0xab: {  	[tilespmem:s19+$0xFFFFFFEF] =	vst v27;
	v27 =	vmul.f32 v37, v23;
	v28 =	vadd.f32 v28, v31;
	v29 =	vadd.f32 v29, v30;
	v30 =	vld [tilespmem:s20+$0xC0]  }
0xac: {  	v31 =	vmul.f32 v33, v16;
	v33 =	vld [tilespmem:s20+$0xD0]  }
0xad: {  	v27 =	vadd.f32 v27, v34;
	v34 =	vmul.f32 v36, v17;
	v36 =	vld [tilespmem:s20+$0xE0]  }
0xae: {  	v32 =	vmul.f32 v32, v18;
	v37 =	vld [tilespmem:s20+$0xF0]  }
0xaf: {  	v27 =	vadd.f32 v27, v29;
	v29 =	vmul.f32 v35, v19;
	v31 =	vadd.f32 v34, v31;
	v34 =	vld [tilespmem:s20+$0x100]  }
0xb0: {  	v30 =	vmul.f32 v30, v20;
	v35 =	vld [tilespmem:s20+$0x110]  }
0xb1: {  	v27 =	vadd.f32 v27, v28;
	v28 =	vmul.f32 v33, v21;
	v29 =	vadd.f32 v29, v32;
	v32 =	vld [tilespmem:s20+$0x120]  }
0xb2: {  	v33 =	vmul.f32 v36, v22;
	v36 =	vld [tilespmem:s20+$0x130]  }
.Ltmp0:
0xb3: {  	[tilespmem:s19+$0x0] =	vst v27;
	v37 =	vmul.f32 v37, v23;
	v27 =	vadd.f32 v29, v31;
	v38 =	vadd.f32 v28, v30;
	v28 =	vld [tilespmem:s20+$0x140];
	(pc) =	sbr.rel @p0 .LBB2_3-.Ltmp0, $4  }
0xb4: {  	v34 =	vmul.f32 v34, v16;
	v29 =	vld [tilespmem:s20+$0x150]  }
0xb5: {  	v37 =	vadd.f32 v37, v33;
	v39 =	vmul.f32 v35, v17;
	v30 =	vld [tilespmem:s20+$0x160]  }
0xb6: {  	v33 =	vmul.f32 v32, v18;
	v32 =	vld [tilespmem:s20+$0x170]  }
0xb7: {  	v31 =	vld [tilespmem:s20+$0xFFFFFE00];
	v35 =	vadd.f32 v37, v38;
	v36 =	vmul.f32 v36, v19;
	v34 =	vadd.f32 v39, v34;
	s20 =	sadd.s32 $0x400, s20  }
0xb8: {  	_ =	sdelay $0x1  }
0xb9: {  	v17 =	vmul.f32 v28, v20;
	v18 =	vmul.f32 v29, v21  }
0xba: {  	v19 =	vmul.f32 v30, v22;
	v20 =	vmul.f32 v32, v23  }
0xbb: {  	v21 =	vadd.f32 v36, v33;
	v16 =	vmul.f32 v31, v16  }
0xbc: {  	v17 =	vadd.f32 v18, v17;
	v18 =	vadd.f32 v20, v19  }
0xbd: {  	v16 =	vadd.f32 v26, v16  }
0xbe: {  	s20 =	simm.s32 $0x0;
	v19 =	vadd.f32 v21, v34;
	v17 =	vadd.f32 v18, v17  }
0xbf: {  	v20 =	vadd.s32 s20, v3;
	v18 =	vadd.f32 v35, v27;
	v16 =	vadd.f32 v24, v16  }
0xc0: {  	v21 =	vadd.s32 s20, v4;
	v17 =	vadd.f32 v17, v19  }
0xc1: {  	v22 =	vadd.s32 s20, v5;
	[tilespmem:s19+$0x11] =	vst v18;
	v16 =	vadd.f32 v25, v16  }
0xc2: {  	v23 =	vadd.s32 s20, v6;
	[tilespmem:s19+$0x22] =	vst v17  }
0xc3: {  	v24 =	vadd.s32 s20, v7;
	[tilespmem:s19+$0xFFFFFFBC] =	vst v16  }
0xc4: {  	v26 =	vadd.s32 s20, v9;
	v20 =	vld.idx.msk [tilespmem:v20+s25+$0x0], $0xffff  }
0xc5: {  	v27 =	vadd.s32 s20, v10;
	v21 =	vld.idx.msk [tilespmem:v21+s25+$0x0], $0xffff  }
0xc6: {  	v28 =	vadd.s32 s20, v11;
	v22 =	vld.idx.msk [tilespmem:v22+s25+$0x0], $0xffff  }
0xc7: {  	v29 =	vadd.s32 s20, v12;
	v23 =	vld.idx.msk [tilespmem:v23+s25+$0x0], $0xffff  }
0xc8: {  	v30 =	vadd.s32 s20, v13;
	v24 =	vld.idx.msk [tilespmem:v24+s25+$0x0], $0xffff  }
0xc9: {  	v31 =	vadd.s32 s20, v14;
	v26 =	vld.idx.msk [tilespmem:v26+s25+$0x0], $0xffff  }
0xca: {  	s18 =	simm.s32 $0x110;
	v48 =	vadd.s32 s20, v15;
	v27 =	vld.idx.msk [tilespmem:v27+s25+$0x0], $0xffff  }
0xcb: {  	v49 =	vadd.s32 s18, v1;
	v28 =	vld.idx.msk [tilespmem:v28+s25+$0x0], $0xffff  }
0xcc: {  	v50 =	vadd.s32 s18, v2;
	v29 =	vld.idx.msk [tilespmem:v29+s25+$0x0], $0xffff  }
0xcd: {  	v51 =	vadd.s32 s18, v3;
	v30 =	vld.idx.msk [tilespmem:v30+s25+$0x0], $0xffff  }
0xce: {  	v52 =	vadd.s32 s18, v4;
	v31 =	vld.idx.msk [tilespmem:v31+s25+$0x0], $0xffff  }
0xcf: {  	v37 =	vadd.s32 s18, v5;
	v32 =	vld.idx.msk [tilespmem:v48+s25+$0x0], $0xffff  }
0xd0: {  	v38 =	vadd.s32 s18, v6;
	v33 =	vld.idx.msk [tilespmem:v49+s25+$0x0], $0xffff  }
0xd1: {  	v39 =	vadd.s32 s18, v7;
	v34 =	vld.idx.msk [tilespmem:v50+s25+$0x0], $0xffff  }
0xd2: {  	v40 =	vadd.s32 s18, v8;
	v35 =	vld.idx.msk [tilespmem:v51+s25+$0x0], $0xffff  }
0xd3: {  	v41 =	vadd.s32 s18, v9;
	v36 =	vld.idx.msk [tilespmem:v52+s25+$0x0], $0xffff  }
0xd4: {  	v42 =	vadd.s32 s18, v10;
	v37 =	vld.idx.msk [tilespmem:v37+s25+$0x0], $0xffff  }
0xd5: {  	v43 =	vadd.s32 s18, v11;
	v38 =	vld.idx.msk [tilespmem:v38+s25+$0x0], $0xffff  }
0xd6: {  	v44 =	vadd.s32 s18, v12;
	v39 =	vld.idx.msk [tilespmem:v39+s25+$0x0], $0xffff  }
0xd7: {  	v45 =	vadd.s32 s18, v13;
	v40 =	vld.idx.msk [tilespmem:v40+s25+$0x0], $0xffff  }
0xd8: {  	v46 =	vadd.s32 s18, v14;
	v41 =	vld.idx.msk [tilespmem:v41+s25+$0x0], $0xffff  }
0xd9: {  	v47 =	vadd.s32 s18, v15;
	v42 =	vld.idx.msk [tilespmem:v42+s25+$0x0], $0xffff  }
0xda: {  	v18 =	vadd.s32 s20, v1;
	v43 =	vld.idx.msk [tilespmem:v43+s25+$0x0], $0xffff  }
0xdb: {  	v19 =	vadd.s32 s20, v2;
	v44 =	vld.idx.msk [tilespmem:v44+s25+$0x0], $0xffff  }
0xdc: {  	v25 =	vadd.s32 s20, v8;
	v45 =	vld.idx.msk [tilespmem:v45+s25+$0x0], $0xffff  }
0xdd: {  	v17 =	vadd.s32 s20, v0;
	v46 =	vld.idx.msk [tilespmem:v46+s25+$0x0], $0xffff  }
0xde: {  	v16 =	vadd.s32 s18, v0;
	s18 =	simm.s32 $0x330;
	v47 =	vld.idx.msk [tilespmem:v47+s25+$0x0], $0xffff  }
0xdf: {  	s20 =	simm.s32 $0x220;
	v48 =	vadd.s32 s18, v0;
	v18 =	vld.idx.msk [tilespmem:v18+s25+$0x0], $0xffff  }
0xe0: {  	v49 =	vadd.s32 s20, v0;
	v19 =	vld.idx.msk [tilespmem:v19+s25+$0x0], $0xffff  }
0xe1: {  	v50 =	vadd.s32 s20, v1;
	v25 =	vld.idx.msk [tilespmem:v25+s25+$0x0], $0xffff  }
0xe2: {  	v52 =	vadd.s32 s20, v3;
	v17 =	vld.idx.msk [tilespmem:v17+s25+$0x0], $0xffff  }
0xe3: {  	v54 =	vadd.s32 s20, v5;
	v16 =	vld.idx.msk [tilespmem:v16+s25+$0x0], $0xffff  }
0xe4: {  	v53 =	vadd.s32 s20, v4;
	v48 =	vld.idx.msk [tilespmem:v48+s25+$0x0], $0xffff  }
0xe5: {  	v51 =	vadd.s32 s20, v2;
	v49 =	vld.idx.msk [tilespmem:v49+s25+$0x0], $0xffff;
	v21 =	vadd.f32 v22, v21  }
0xe6: {  	v55 =	vadd.s32 s20, v6;
	v50 =	vld.idx.msk [tilespmem:v50+s25+$0x0], $0xffff;
	v22 =	vadd.f32 v24, v23;
	v29 =	vadd.f32 v30, v29  }
0xe7: {  	v23 =	vld.idx.msk [tilespmem:v52+s25+$0x0], $0xffff;
	v24 =	vadd.s32 s20, v8;
	v30 =	vadd.f32 v32, v31;
	v63 =	vadd.f32 v47, v46  }
0xe8: {  	v31 =	vld.idx.msk [tilespmem:v54+s25+$0x0], $0xffff;
	v54 =	vadd.s32 s20, v13;
	v25 =	vadd.f32 v26, v25;
	v26 =	vadd.f32 v28, v27  }
0xe9: {  	v46 =	vadd.s32 s18, v3;
	v27 =	vld.idx.msk [tilespmem:v53+s25+$0x0], $0xffff;
	v17 =	vadd.f32 v18, v17;
	v18 =	vadd.f32 v20, v19  }
0xea: {  	v28 =	vadd.s32 s20, v9;
	v19 =	vld.idx.msk [tilespmem:v51+s25+$0x0], $0xffff  }
0xeb: {  	v53 =	vadd.s32 s20, v10;
	v17 =	vadd.f32 v18, v17;
	v18 =	vadd.f32 v22, v21;
	v21 =	vld.idx.msk [tilespmem:v55+s25+$0x0], $0xffff  }
0xec: {  	v57 =	vadd.s32 s20, v14;
	v24 =	vld.idx.msk [tilespmem:v24+s25+$0x0], $0xffff  }
0xed: {  	v60 =	vadd.s32 s20, v15;
	v25 =	vadd.f32 v26, v25;
	v16 =	vadd.f32 v33, v16;
	v33 =	vld.idx.msk [tilespmem:v54+s25+$0x0], $0xffff  }
0xee: {  	v20 =	vadd.s32 s20, v7;
	v26 =	vadd.f32 v30, v29;
	v30 =	vadd.f32 v35, v34;
	v34 =	vld.idx.msk [tilespmem:v46+s25+$0x0], $0xffff  }
0xef: {  	v58 =	vadd.f32 v41, v40;
	v29 =	vadd.s32 s20, v12;
	v28 =	vld.idx.msk [tilespmem:v28+s25+$0x0], $0xffff  }
0xf0: {  	v59 =	vadd.f32 v43, v42;
	v62 =	vadd.f32 v45, v44;
	v22 =	vadd.s32 s20, v11;
	v32 =	vld.idx.msk [tilespmem:v53+s25+$0x0], $0xffff  }
0xf1: {  	v61 =	vadd.s32 s18, v1;
	v17 =	vadd.f32 v18, v17;
	v18 =	vadd.f32 v26, v25;
	v26 =	vld.idx.msk [tilespmem:v57+s25+$0x0], $0xffff  }
0xf2: {  	v56 =	vadd.f32 v39, v38;
	v45 =	vadd.s32 s18, v2;
	v55 =	vadd.f32 v37, v36;
	v53 =	vld.idx.msk [tilespmem:v60+s25+$0x0], $0xffff  }
0xf3: {  	v47 =	vadd.f32 v59, v58;
	v51 =	vadd.f32 v63, v62;
	v54 =	vadd.s32 s18, v6;
	v20 =	vld.idx.msk [tilespmem:v20+s25+$0x0], $0xffff  }
0xf4: {  	v16 =	vadd.f32 v30, v16;
	v30 =	vadd.f32 v56, v55;
	v25 =	vadd.s32 s18, v4;
	v29 =	vld.idx.msk [tilespmem:v29+s25+$0x0], $0xffff  }
0xf5: {  	v58 =	vadd.f32 v50, v49;
	v18 =	vadd.f32 v18, v17;
	v17 =	vadd.s32 s18, v7;
	v22 =	vld.idx.msk [tilespmem:v22+s25+$0x0], $0xffff  }
0xf6: {  	v52 =	vadd.s32 s18, v5;
	v55 =	vld.idx.msk [tilespmem:v61+s25+$0x0], $0xffff;
	v16 =	vadd.f32 v30, v16;
	v30 =	vadd.f32 v51, v47  }
0xf7: {  	v56 =	vld.idx.msk [tilespmem:v45+s25+$0x0], $0xffff;
	v57 =	vadd.s32 s18, v8;
	v27 =	vadd.f32 v31, v27;
	v59 =	vadd.f32 v23, v19  }
0xf8: {  	v60 =	vadd.s32 s18, v9;
	v23 =	vld.idx.msk [tilespmem:v54+s25+$0x0], $0xffff;
	v30 =	vadd.f32 v30, v16;
	v24 =	vadd.f32 v28, v24  }
0xf9: {  	v61 =	vadd.s32 s18, v10;
	v20 =	vadd.f32 v20, v21;
	v21 =	vld.idx.msk [tilespmem:v25+s25+$0x0], $0xffff;
	v28 =	vadd.f32 v33, v29  }
0xfa: {  	v16 =	vadd.s32 s18, v11;
	v29 =	vadd.f32 v53, v26;
	v26 =	vld.idx.msk [tilespmem:v17+s25+$0x0], $0xffff;
	v25 =	vadd.f32 v22, v32  }
0xfb: {  	s17 =	sshll.u32 s17, $0x7;
	v19 =	vadd.s32 s18, v12;
	v31 =	vadd.f32 v59, v58;
	v22 =	vld.idx.msk [tilespmem:v52+s25+$0x0], $0xffff;
	v62 =	vadd.f32 v20, v27  }
0xfc: {  	s17 =	sadd.s32 $0x9110, s17;
	v17 =	vadd.s32 s18, v13;
	v27 =	vld.idx.msk [tilespmem:v57+s25+$0x0], $0xffff;
	v29 =	vadd.f32 v29, v28;
	v63 =	vadd.f32 v25, v24  }
0xfd: {  	[tilespmem:s17+$0xFFFFFFF0] =	vst v18;
	v20 =	vadd.s32 s18, v14;
	v28 =	vld.idx.msk [tilespmem:v60+s25+$0x0], $0xffff;
	v24 =	vadd.f32 v55, v48;
	v25 =	vadd.f32 v34, v56  }
0xfe: {  	s19 =	simm.s32 $0x550;
	v18 =	vadd.s32 s18, v15;
	[tilespmem:s17+$0x0] =	vst v30;
	s18 =	simm.s32 $0x2;
	v30 =	vadd.f32 v62, v31;
	v31 =	vadd.f32 v29, v63;
	v29 =	vld.idx.msk [tilespmem:v61+s25+$0x0], $0xffff  }
.LBB2_5:
0xff: {  	s20 =	sadd.s32 $0xFFFFFEF0, s19;
	v32 =	vadd.s32 s19, v0;
	v33 =	vadd.s32 s19, v1;
	v34 =	vadd.s32 s19, v2;
	v35 =	vld.idx.msk [tilespmem:v16+s25+$0x0], $0xffff  }
0x100: {  	v37 =	vadd.s32 s19, v3;
	v36 =	vadd.s32 s20, v0;
	v16 =	vadd.f32 v31, v30;
	v30 =	vld.idx.msk [tilespmem:v19+s25+$0x0], $0xffff  }
0x101: {  	v38 =	vadd.s32 s19, v4;
	v39 =	vadd.s32 s19, v5;
	s17 =	sadd.s32 $0x20, s17;
	v31 =	vadd.s32 s20, v1;
	v40 =	vld.idx.msk [tilespmem:v17+s25+$0x0], $0xffff  }
0x102: {  	v42 =	vadd.s32 s19, v6;
	v43 =	vadd.s32 s19, v7;
	v41 =	vadd.s32 s20, v2;
	[tilespmem:s17+$0xFFFFFFF0] =	vst v16;
	v44 =	vld.idx.msk [tilespmem:v20+s25+$0x0], $0xffff  }
0x103: {  	v46 =	vadd.s32 s19, v8;
	v47 =	vadd.s32 s19, v9;
	v45 =	vadd.s32 s20, v3;
	v48 =	vld.idx.msk [tilespmem:v18+s25+$0x0], $0xffff  }
0x104: {  	v50 =	vadd.s32 s19, v10;
	v49 =	vadd.s32 s20, v4;
	v16 =	vadd.s32 s19, v11;
	v32 =	vld.idx.msk [tilespmem:v32+s25+$0x0], $0xffff  }
0x105: {  	v51 =	vadd.s32 s20, v5;
	v19 =	vadd.s32 s19, v12;
	v17 =	vadd.s32 s19, v13;
	v36 =	vld.idx.msk [tilespmem:v36+s25+$0x0], $0xffff  }
0x106: {  	v52 =	vadd.s32 s20, v6;
	v20 =	vadd.s32 s19, v14;
	v18 =	vadd.s32 s19, v15;
	v31 =	vld.idx.msk [tilespmem:v31+s25+$0x0], $0xffff  }
0x107: {  	v21 =	vadd.f32 v22, v21;
	v53 =	vadd.s32 s20, v7;
	v22 =	vadd.f32 v26, v23;
	v41 =	vld.idx.msk [tilespmem:v41+s25+$0x0], $0xffff  }
0x108: {  	v26 =	vadd.s32 s20, v8;
	v27 =	vadd.f32 v28, v27;
	v28 =	vadd.f32 v35, v29;
	v23 =	vld.idx.msk [tilespmem:v45+s25+$0x0], $0xffff  }
0x109: {  	v35 =	vadd.s32 s20, v9;
	v30 =	vadd.f32 v40, v30;
	v40 =	vadd.f32 v48, v44;
	v29 =	vld.idx.msk [tilespmem:v49+s25+$0x0], $0xffff  }
0x10a: {  	v24 =	vadd.f32 v25, v24;
	v21 =	vadd.f32 v22, v21;
	v45 =	vadd.s32 s20, v10;
	v44 =	vld.idx.msk [tilespmem:v51+s25+$0x0], $0xffff  }
0x10b: {  	v25 =	vadd.s32 s20, v11;
	v27 =	vadd.f32 v28, v27;
	v28 =	vadd.f32 v40, v30;
	v22 =	vld.idx.msk [tilespmem:v52+s25+$0x0], $0xffff  }
0x10c: {  	v21 =	vadd.f32 v21, v24;
	v40 =	vadd.s32 s20, v12;
	v30 =	vld.idx.msk [tilespmem:v53+s25+$0x0], $0xffff  }
0x10d: {  	v27 =	vadd.f32 v28, v27;
	v24 =	vld.idx.msk [tilespmem:v26+s25+$0x0], $0xffff;
	v26 =	vadd.s32 s20, v13  }
0x10e: {  	s18 =	sadd.s32 $0x2, s18;
	v28 =	vld.idx.msk [tilespmem:v35+s25+$0x0], $0xffff;
	v35 =	vadd.s32 s20, v14  }
0x10f: {  	p0 =	slt.u32 s18, $0x6;
	v48 =	vadd.s32 s20, v15;
	v21 =	vadd.f32 v27, v21;
	v45 =	vld.idx.msk [tilespmem:v45+s25+$0x0], $0xffff  }
0x110: {  	v25 =	vld.idx.msk [tilespmem:v25+s25+$0x0], $0xffff  }
0x111: {  	v27 =	vld.idx.msk [tilespmem:v40+s25+$0x0], $0xffff;
	[tilespmem:s17+$0x0] =	vst v21  }
0x112: {  	v26 =	vld.idx.msk [tilespmem:v26+s25+$0x0], $0xffff  }
0x113: {  	v35 =	vld.idx.msk [tilespmem:v35+s25+$0x0], $0xffff  }
0x114: {  	v40 =	vld.idx.msk [tilespmem:v48+s25+$0x0], $0xffff  }
0x115: {  	v33 =	vld.idx.msk [tilespmem:v33+s25+$0x0], $0xffff  }
0x116: {  	v34 =	vld.idx.msk [tilespmem:v34+s25+$0x0], $0xffff  }
0x117: {  	v31 =	vadd.f32 v31, v36;
	v36 =	vadd.f32 v23, v41;
	v37 =	vld.idx.msk [tilespmem:v37+s25+$0x0], $0xffff  }
0x118: {  	v29 =	vadd.f32 v44, v29;
	v30 =	vadd.f32 v30, v22;
	v21 =	vld.idx.msk [tilespmem:v38+s25+$0x0], $0xffff  }
0x119: {  	v24 =	vadd.f32 v28, v24;
	v25 =	vadd.f32 v25, v45;
	v22 =	vld.idx.msk [tilespmem:v39+s25+$0x0], $0xffff  }
.Ltmp1:
0x11a: {  	v27 =	vadd.f32 v26, v27;
	v28 =	vadd.f32 v40, v35;
	v23 =	vld.idx.msk [tilespmem:v42+s25+$0x0], $0xffff;
	(pc) =	sbr.rel @p0 .LBB2_5-.Ltmp1, $4  }
0x11b: {  	v31 =	vadd.f32 v36, v31;
	v29 =	vadd.f32 v30, v29;
	v26 =	vld.idx.msk [tilespmem:v43+s25+$0x0], $0xffff  }
0x11c: {  	v35 =	vadd.f32 v25, v24;
	v36 =	vadd.f32 v28, v27;
	v27 =	vld.idx.msk [tilespmem:v46+s25+$0x0], $0xffff  }
0x11d: {  	v24 =	vadd.f32 v33, v32;
	v25 =	vadd.f32 v37, v34;
	v28 =	vld.idx.msk [tilespmem:v47+s25+$0x0], $0xffff  }
0x11e: {  	s19 =	sadd.s32 $0x220, s19;
	v30 =	vadd.f32 v29, v31;
	v31 =	vadd.f32 v36, v35;
	v29 =	vld.idx.msk [tilespmem:v50+s25+$0x0], $0xffff  }
0x11f: {  	_ =	sdelay $0x3  }
0x120: {  	v16 =	vld.idx.msk [tilespmem:v16+s25+$0x0], $0xffff  }
0x121: {  	v19 =	vld.idx.msk [tilespmem:v19+s25+$0x0], $0xffff  }
0x122: {  	v17 =	vld.idx.msk [tilespmem:v17+s25+$0x0], $0xffff  }
0x123: {  	v20 =	vld.idx.msk [tilespmem:v20+s25+$0x0], $0xffff  }
0x124: {  	v18 =	vld.idx.msk [tilespmem:v18+s25+$0x0], $0xffff;
	_ =	sdelay $0x2  }
0x125: {  	v21 =	vadd.f32 v22, v21;
	v22 =	vadd.f32 v26, v23  }
0x126: {  	v23 =	vadd.f32 v28, v27;
	v16 =	vadd.f32 v16, v29  }
0x127: {  	v17 =	vadd.f32 v17, v19;
	v18 =	vadd.f32 v18, v20  }
0x128: {  	v19 =	vadd.f32 v25, v24;
	v20 =	vadd.f32 v22, v21  }
0x129: {  	v16 =	vadd.f32 v16, v23;
	v17 =	vadd.f32 v18, v17;
	_ =	sdelay $0x1  }
0x12a: {  	v18 =	vadd.f32 v20, v19;
	v16 =	vadd.f32 v17, v16  }
0x12b: {  	v17 =	vadd.f32 v31, v30  }
0x12c: {  	s17 =	sadd.s32 $0x20, s17;
	v16 =	vadd.f32 v16, v18  }
0x12d: {  	p0 =	sne.s32 s30, $0x7F;
	[tilespmem:s17+$0xFFFFFFF0] =	vst v17  }
0x12e: {  	[tilespmem:s17+$0x0] =	vst v16;
	s17 =	simm.s32 @p0 $0x1  }
0x12f: {  	_ =	swait.ge @p0 [sflag:s17], $0x80  }
0x130: {  	s18 =	simm.s32 @p0 $0x0;
	[sflag:s17] =	ssyncset.done @p0 $0x0  }
0x131: {  	s19 =	simm.s32 @p0 $0x100;
	[sflag:s17] =	ssyncadd.s32 @p0 $0xFFFFFF80;
	s17 =	simm.s32 @p0 $0x80  }
0x132: {  	[tilespmem:s19], [sflag:$0x3] =	stream.indirect.gather @p0 [hbm4b:s1+s17], $0x80, s18, s17, $0xb8;
	[tilespmem:$0xAE00] =	vst v63  }
0x133: {  	s19 =	simm.s32 @p0 $0x4  }
0x134: {  	s20 =	sadd.s32 @p0 s4, s13;
	_ =	swait.ge @p0 [sflag:s19], $0x4000  }
0x135: {  	s20 =	sshll.u32 @p0 s20, $0x4;
	[sflag:s19] =	ssyncset.done @p0 $0x0  }
0x136: {  	[sflag:s19] =	ssyncadd.s32 @p0 $0xFFFFC000;
	s19 =	sadd.s32 @p0 s12, s20  }
0x137: {  	[tilespmem:s17], [sflag:$0x2] =	stream.linear.gather @p0 [hbm4b:s19+s18], $0x80, $0x38;
	[tilespmem:$0xAE00] =	vst v63  }
0x138: {  	s17 =	simm.s32 @!p0 $0x4  }
0x139: {  	_ =	swait.ge @!p0 [sflag:s17], $0x4000  }
0x13a: {  	[sflag:s17] =	ssyncset.done @!p0 $0x0  }
0x13b: {  	[sflag:s17] =	ssyncadd.s32 @!p0 $0xFFFFC000  }
0x13c: {  	v16 =	vld [tilespmem:s0+$0x8100]  }
0x13d: {  	v17 =	vld [tilespmem:s0+$0x8110]  }
0x13e: {  	v18 =	vld [tilespmem:s0+$0x8120]  }
0x13f: {  	v23 =	vld [tilespmem:s0+$0x8130]  }
0x140: {  	v19 =	vld [tilespmem:s0+$0x8140]  }
0x141: {  	v20 =	vld [tilespmem:s0+$0x8150]  }
0x142: {  	v21 =	vld [tilespmem:s0+$0x8160]  }
0x143: {  	s20 =	simm.s32 $0x4300;
	v22 =	vld [tilespmem:s0+$0x8170]  }
0x144: {  	v24 =	vld [tilespmem:s20+$0x180]  }
0x145: {  	v25 =	vld [tilespmem:s20+$0x190]  }
0x146: {  	v27 =	vld [tilespmem:s20+$0x1A0]  }
0x147: {  	v28 =	vld [tilespmem:s20+$0x1B0]  }
0x148: {  	v29 =	vld [tilespmem:s20+$0x1C0]  }
0x149: {  	v30 =	vld [tilespmem:s20+$0x1D0]  }
0x14a: {  	v31 =	vld [tilespmem:s20+$0x1E0]  }
0x14b: {  	v32 =	vld [tilespmem:s20+$0x1F0]  }
0x14c: {  	v26 =	vld [tilespmem:s20+$0xFFFFFE10]  }
0x14d: {  	v33 =	vld [tilespmem:s20+$0xFFFFFE20]  }
0x14e: {  	v34 =	vld [tilespmem:s20+$0xFFFFFE30]  }
0x14f: {  	v35 =	vld [tilespmem:s20+$0xFFFFFE40]  }
0x150: {  	v36 =	vld [tilespmem:s20+$0xFFFFFE50]  }
0x151: {  	v37 =	vld [tilespmem:s20+$0xFFFFFE60]  }
0x152: {  	v38 =	vld [tilespmem:s20+$0xFFFFFE70]  }
0x153: {  	v39 =	vld [tilespmem:s20+$0xFFFFFE80]  }
0x154: {  	v40 =	vld [tilespmem:s20+$0xFFFFFE90]  }
0x155: {  	v41 =	vld [tilespmem:s20+$0xFFFFFEA0]  }
0x156: {  	v42 =	vld [tilespmem:s20+$0xFFFFFEB0]  }
0x157: {  	v43 =	vld [tilespmem:s20+$0xFFFFFEC0]  }
0x158: {  	v44 =	vld [tilespmem:s20+$0xFFFFFED0]  }
0x159: {  	v45 =	vld [tilespmem:s20+$0xFFFFFEE0]  }
0x15a: {  	v46 =	vld [tilespmem:s20+$0xFFFFFEF0]  }
0x15b: {  	v47 =	vld [tilespmem:s20+$0xFFFFFF00]  }
0x15c: {  	v48 =	vld [tilespmem:s20+$0xFFFFFF10]  }
0x15d: {  	v49 =	vld [tilespmem:s20+$0xFFFFFF20];
	v24 =	vmul.f32 v24, v16  }
0x15e: {  	v50 =	vld [tilespmem:s20+$0xFFFFFF30];
	v25 =	vmul.f32 v25, v17;
	v27 =	vmul.f32 v27, v18  }
0x15f: {  	v51 =	vld [tilespmem:s20+$0xFFFFFF40];
	v28 =	vmul.f32 v28, v23;
	v29 =	vmul.f32 v29, v19  }
0x160: {  	v52 =	vld [tilespmem:s20+$0xFFFFFF50];
	v30 =	vmul.f32 v30, v20;
	v31 =	vmul.f32 v31, v21  }
0x161: {  	v32 =	vmul.f32 v32, v22;
	v58 =	vmul.f32 v35, v19;
	v35 =	vld [tilespmem:s20+$0xFFFFFF80]  }
0x162: {  	v59 =	vmul.f32 v36, v20;
	v60 =	vmul.f32 v38, v22;
	v36 =	vld [tilespmem:s20+$0xFFFFFFB0]  }
0x163: {  	v61 =	vmul.f32 v39, v16;
	v62 =	vmul.f32 v40, v17;
	v40 =	vld [tilespmem:s20+$0xFFFFFFC0]  }
0x164: {  	v63 =	vmul.f32 v41, v18;
	v53 =	vmul.f32 v42, v23;
	v41 =	vld [tilespmem:s20+$0xFFFFFFD0]  }
0x165: {  	v55 =	vmul.f32 v46, v22;
	v46 =	vld [tilespmem:s20+$0x10];
	v24 =	vadd.f32 v25, v24;
	v25 =	vadd.f32 v28, v27  }
0x166: {  	v57 =	vmul.f32 v48, v17;
	v48 =	vld [tilespmem:s20+$0xD0];
	v27 =	vadd.f32 v30, v29;
	v30 =	vadd.f32 v32, v31  }
0x167: {  	v28 =	vld [tilespmem:s20+$0xFFFFFF60];
	v29 =	vmul.f32 v33, v18;
	v31 =	vmul.f32 v34, v23;
	v33 =	vadd.f32 v62, v61  }
0x168: {  	v32 =	vld [tilespmem:s20+$0xFFFFFF70];
	v38 =	vadd.f32 v53, v63;
	v27 =	vadd.f32 v30, v27;
	v30 =	vmul.f32 v37, v21  }
0x169: {  	v54 =	vmul.f32 v45, v21;
	v62 =	vld [tilespmem:s20+$0x20];
	v25 =	vadd.f32 v25, v24;
	v24 =	vadd.f32 v31, v29  }
0x16a: {  	v56 =	vmul.f32 v47, v16;
	v63 =	vld [tilespmem:s20+$0x30];
	v29 =	vadd.f32 v59, v58;
	v30 =	vadd.f32 v60, v30  }
0x16b: {  	v34 =	vadd.f32 v55, v54;
	v61 =	vmul.f32 v52, v20;
	v53 =	vld [tilespmem:s20+$0x70];
	v27 =	vadd.f32 v27, v25  }
0x16c: {  	v37 =	vld [tilespmem:s20+$0xFFFFFF90];
	v25 =	vadd.f32 v30, v29;
	v29 =	vmul.f32 v43, v19;
	v30 =	vmul.f32 v44, v20  }
0x16d: {  	v39 =	vadd.f32 v57, v56;
	v31 =	vld [tilespmem:s20+$0xFFFFFFA0];
	v58 =	vmul.f32 v49, v18;
	v59 =	vmul.f32 v50, v23  }
0x16e: {  	v49 =	vld [tilespmem:s20+$0x40];
	v35 =	vmul.f32 v35, v16;
	v60 =	vmul.f32 v51, v19;
	v29 =	vadd.f32 v30, v29  }
0x16f: {  	v33 =	vadd.f32 v38, v33;
	v28 =	vmul.f32 v28, v21;
	v32 =	vmul.f32 v32, v22;
	v43 =	vld [tilespmem:s20+$0xFFFFFFE0]  }
0x170: {  	v52 =	vmul.f32 v36, v23;
	v45 =	vadd.f32 v59, v58;
	v30 =	vld [tilespmem:s20+$0xFFFFFFF0];
	v29 =	vadd.f32 v34, v29  }
0x171: {  	v50 =	vld [tilespmem:s20+$0x50];
	v54 =	vmul.f32 v40, v19;
	v28 =	vadd.f32 v32, v28;
	v34 =	vadd.f32 v61, v60  }
0x172: {  	v55 =	vmul.f32 v41, v20;
	v62 =	vmul.f32 v62, v18;
	v44 =	vld [tilespmem:s20+$0x0];
	v29 =	vadd.f32 v29, v33  }
0x173: {  	v51 =	vld [tilespmem:s20+$0x60];
	v36 =	vmul.f32 v53, v22;
	v33 =	vadd.f32 v45, v39;
	v28 =	vadd.f32 v28, v34  }
0x174: {  	v56 =	vld [tilespmem:s20+$0x80];
	v58 =	vadd.f32 v55, v54;
	v37 =	vmul.f32 v37, v17;
	v31 =	vmul.f32 v31, v18  }
0x175: {  	v57 =	vld [tilespmem:s20+$0x90];
	v30 =	vmul.f32 v30, v22;
	v33 =	vadd.f32 v28, v33;
	v28 =	vmul.f32 v43, v21  }
0x176: {  	v59 =	vld [tilespmem:s20+$0xA0];
	v47 =	vmul.f32 v49, v19;
	v32 =	vmul.f32 v50, v20;
	v35 =	vadd.f32 v37, v35  }
0x177: {  	v49 =	vld [tilespmem:s20+$0xE0];
	v31 =	vadd.f32 v52, v31;
	v60 =	vmul.f32 v44, v16;
	v28 =	vadd.f32 v30, v28  }
0x178: {  	v50 =	vld [tilespmem:s20+$0xF0];
	v32 =	vadd.f32 v32, v47;
	v39 =	vmul.f32 v51, v21;
	v30 =	vmul.f32 v46, v17  }
0x179: {  	v42 =	vmul.f32 v63, v23;
	v61 =	vld [tilespmem:s20+$0xB0];
	v31 =	vadd.f32 v31, v35;
	v28 =	vadd.f32 v28, v58  }
0x17a: {  	v38 =	vmul.f32 v48, v20;
	v63 =	vld [tilespmem:s20+$0xC0];
	v51 =	vadd.f32 v36, v39;
	v30 =	vadd.f32 v30, v60  }
0x17b: {  	s17 =	simm.s32 $0x9544;
	v53 =	vmul.f32 v57, v17;
	v52 =	vld [tilespmem:s20+$0x100];
	v31 =	vadd.f32 v28, v31;
	v28 =	vadd.f32 v42, v62  }
0x17c: {  	v54 =	vld [tilespmem:s20+$0x110];
	[tilespmem:s17+$0x33] =	vst v27;
	v37 =	vmul.f32 v59, v18;
	v27 =	vmul.f32 v49, v21  }
0x17d: {  	v57 =	vld [tilespmem:s20+$0x130];
	v32 =	vadd.f32 v51, v32;
	v28 =	vadd.f32 v28, v30;
	v30 =	vmul.f32 v56, v16  }
0x17e: {  	v59 =	vmul.f32 v50, v22;
	v55 =	vmul.f32 v61, v23;
	v56 =	vld [tilespmem:s20+$0x120]  }
0x17f: {  	v39 =	vadd.f32 v53, v30;
	v30 =	vmul.f32 v63, v19;
	v58 =	vadd.f32 v32, v28;
	v28 =	vld [tilespmem:s20+$0x140]  }
0x180: {  	[tilespmem:s17+$0xFFFFFFCD] =	vst v29;
	v29 =	vld [tilespmem:s20+$0x150];
	v61 =	vmul.f32 v52, v16;
	v34 =	vadd.f32 v55, v37  }
0x181: {  	[tilespmem:s17+$0xFFFFFFDE] =	vst v33;
	v62 =	vadd.f32 v59, v27;
	v63 =	vmul.f32 v54, v17;
	v60 =	vadd.f32 v38, v30;
	v30 =	vld [tilespmem:s20+$0x160]  }
0x182: {  	v26 =	vmul.f32 v26, v17;
	v36 =	vmul.f32 v57, v23;
	[tilespmem:s17+$0xFFFFFFEF] =	vst v31;
	v32 =	vld [tilespmem:s20+$0x170];
	v27 =	vadd.f32 v34, v39  }
0x183: {  	s18 =	simm.s32 $0x0;
	s19 =	simm.s32 $0x4700;
	v31 =	vld [tilespmem:s20+$0xFFFFFE00];
	[tilespmem:s17+$0x0] =	vst v58;
	v34 =	vadd.f32 v63, v61;
	v33 =	vmul.f32 v56, v18;
	v35 =	vadd.f32 v62, v60  }
.LBB2_7:
0x184: {  	v37 =	vld [tilespmem:s19+$0x180];
	v28 =	vmul.f32 v28, v19  }
0x185: {  	v38 =	vld [tilespmem:s19+$0x190];
	v27 =	vadd.f32 v35, v27;
	v29 =	vmul.f32 v29, v20;
	v33 =	vadd.f32 v36, v33  }
0x186: {  	v35 =	vld [tilespmem:s19+$0x1A0];
	v30 =	vmul.f32 v30, v21  }
0x187: {  	v36 =	vld [tilespmem:s19+$0x1B0];
	[tilespmem:s17+$0x11] =	vst v27;
	v27 =	vmul.f32 v32, v22;
	v32 =	vadd.f32 v33, v34;
	v28 =	vadd.f32 v29, v28  }
0x188: {  	v29 =	vld [tilespmem:s19+$0x1C0];
	v31 =	vmul.f32 v31, v16  }
0x189: {  	v33 =	vld [tilespmem:s19+$0x1D0];
	v27 =	vadd.f32 v27, v30  }
0x18a: {  	v30 =	vld [tilespmem:s19+$0x1E0];
	v26 =	vadd.f32 v26, v31  }
0x18b: {  	s18 =	sadd.s32 $0x8, s18;
	v31 =	vld [tilespmem:s19+$0x1F0];
	v27 =	vadd.f32 v27, v28  }
0x18c: {  	p0 =	slt.u32 s18, $0x78;
	v28 =	vld [tilespmem:s19+$0xFFFFFE10];
	v24 =	vadd.f32 v24, v26  }
0x18d: {  	v37 =	vmul.f32 v37, v16;
	v38 =	vmul.f32 v38, v17;
	v34 =	vld [tilespmem:s19+$0xFFFFFE20];
	v26 =	vadd.f32 v27, v32  }
0x18e: {  	v32 =	vmul.f32 v35, v18;
	v35 =	vmul.f32 v36, v23;
	v27 =	vld [tilespmem:s19+$0xFFFFFE30];
	v24 =	vadd.f32 v25, v24  }
0x18f: {  	v29 =	vmul.f32 v29, v19;
	v33 =	vmul.f32 v33, v20;
	v25 =	vld [tilespmem:s19+$0xFFFFFE40];
	[tilespmem:s17+$0x22] =	vst v26  }
0x190: {  	v30 =	vmul.f32 v30, v21;
	v36 =	vld [tilespmem:s19+$0xFFFFFE50];
	v31 =	vmul.f32 v31, v22;
	[tilespmem:s17+$0xFFFFFFBC] =	vst v24  }
0x191: {  	v32 =	vadd.f32 v35, v32;
	v24 =	vadd.f32 v38, v37;
	v26 =	vmul.f32 v28, v17;
	v28 =	vld [tilespmem:s19+$0xFFFFFE60]  }
0x192: {  	v29 =	vadd.f32 v33, v29;
	v34 =	vmul.f32 v34, v18;
	v35 =	vld [tilespmem:s19+$0xFFFFFE70];
	v30 =	vadd.f32 v31, v30  }
0x193: {  	v27 =	vmul.f32 v27, v23;
	v31 =	vld [tilespmem:s19+$0xFFFFFE80]  }
0x194: {  	v32 =	vadd.f32 v32, v24;
	v25 =	vmul.f32 v25, v19;
	v33 =	vld [tilespmem:s19+$0xFFFFFE90];
	v29 =	vadd.f32 v30, v29  }
0x195: {  	v30 =	vmul.f32 v36, v20;
	v24 =	vadd.f32 v27, v34;
	v27 =	vld [tilespmem:s19+$0xFFFFFEA0]  }
0x196: {  	v28 =	vmul.f32 v28, v21;
	v34 =	vld [tilespmem:s19+$0xFFFFFEB0];
	v29 =	vadd.f32 v29, v32  }
0x197: {  	s17 =	sadd.s32 $0x88, s17;
	v32 =	vmul.f32 v35, v22;
	v25 =	vadd.f32 v30, v25;
	v30 =	vld [tilespmem:s19+$0xFFFFFEC0]  }
0x198: {  	v31 =	vmul.f32 v31, v16;
	v35 =	vld [tilespmem:s19+$0xFFFFFED0];
	[tilespmem:s17+$0x33] =	vst v29  }
0x199: {  	v28 =	vadd.f32 v32, v28;
	v29 =	vmul.f32 v33, v17;
	v32 =	vld [tilespmem:s19+$0xFFFFFEE0]  }
0x19a: {  	v27 =	vmul.f32 v27, v18;
	v33 =	vld [tilespmem:s19+$0xFFFFFEF0]  }
0x19b: {  	v25 =	vadd.f32 v28, v25;
	v28 =	vmul.f32 v34, v23;
	v29 =	vadd.f32 v29, v31;
	v31 =	vld [tilespmem:s19+$0xFFFFFF00]  }
0x19c: {  	v30 =	vmul.f32 v30, v19;
	v34 =	vld [tilespmem:s19+$0xFFFFFF10]  }
0x19d: {  	v35 =	vmul.f32 v35, v20;
	v27 =	vadd.f32 v28, v27;
	v28 =	vld [tilespmem:s19+$0xFFFFFF20]  }
0x19e: {  	v32 =	vmul.f32 v32, v21;
	v36 =	vld [tilespmem:s19+$0xFFFFFF30]  }
0x19f: {  	v33 =	vmul.f32 v33, v22;
	v27 =	vadd.f32 v27, v29;
	v29 =	vadd.f32 v35, v30;
	v30 =	vld [tilespmem:s19+$0xFFFFFF40]  }
0x1a0: {  	v31 =	vmul.f32 v31, v16;
	v35 =	vld [tilespmem:s19+$0xFFFFFF50]  }
0x1a1: {  	v32 =	vadd.f32 v33, v32;
	v33 =	vmul.f32 v34, v17;
	v34 =	vld [tilespmem:s19+$0xFFFFFF60]  }
0x1a2: {  	v28 =	vmul.f32 v28, v18;
	v37 =	vld [tilespmem:s19+$0xFFFFFF70]  }
0x1a3: {  	v29 =	vadd.f32 v32, v29;
	v32 =	vmul.f32 v36, v23;
	v31 =	vadd.f32 v33, v31;
	v33 =	vld [tilespmem:s19+$0xFFFFFF80]  }
0x1a4: {  	v30 =	vmul.f32 v30, v19;
	v36 =	vld [tilespmem:s19+$0xFFFFFF90]  }
0x1a5: {  	v27 =	vadd.f32 v29, v27;
	v29 =	vmul.f32 v35, v20;
	v28 =	vadd.f32 v32, v28;
	v32 =	vld [tilespmem:s19+$0xFFFFFFA0]  }
0x1a6: {  	v34 =	vmul.f32 v34, v21;
	v35 =	vld [tilespmem:s19+$0xFFFFFFB0]  }
0x1a7: {  	[tilespmem:s17+$0xFFFFFFCD] =	vst v27;
	v27 =	vmul.f32 v37, v22;
	v28 =	vadd.f32 v28, v31;
	v29 =	vadd.f32 v29, v30;
	v30 =	vld [tilespmem:s19+$0xFFFFFFC0]  }
0x1a8: {  	v31 =	vmul.f32 v33, v16;
	v33 =	vld [tilespmem:s19+$0xFFFFFFD0]  }
0x1a9: {  	v27 =	vadd.f32 v27, v34;
	v34 =	vmul.f32 v36, v17;
	v36 =	vld [tilespmem:s19+$0xFFFFFFE0]  }
0x1aa: {  	v32 =	vmul.f32 v32, v18;
	v37 =	vld [tilespmem:s19+$0xFFFFFFF0]  }
0x1ab: {  	v27 =	vadd.f32 v27, v29;
	v29 =	vmul.f32 v35, v23;
	v31 =	vadd.f32 v34, v31;
	v34 =	vld [tilespmem:s19+$0x0]  }
0x1ac: {  	v30 =	vmul.f32 v30, v19;
	v35 =	vld [tilespmem:s19+$0x10]  }
0x1ad: {  	v27 =	vadd.f32 v27, v28;
	v28 =	vmul.f32 v33, v20;
	v29 =	vadd.f32 v29, v32;
	v32 =	vld [tilespmem:s19+$0x20]  }
0x1ae: {  	v33 =	vmul.f32 v36, v21;
	v36 =	vld [tilespmem:s19+$0x30]  }
0x1af: {  	[tilespmem:s17+$0xFFFFFFDE] =	vst v27;
	v27 =	vmul.f32 v37, v22;
	v29 =	vadd.f32 v29, v31;
	v28 =	vadd.f32 v28, v30;
	v30 =	vld [tilespmem:s19+$0x40]  }
0x1b0: {  	v31 =	vmul.f32 v34, v16;
	v34 =	vld [tilespmem:s19+$0x50]  }
0x1b1: {  	v27 =	vadd.f32 v27, v33;
	v33 =	vmul.f32 v35, v17;
	v35 =	vld [tilespmem:s19+$0x60]  }
0x1b2: {  	v32 =	vmul.f32 v32, v18;
	v37 =	vld [tilespmem:s19+$0x70]  }
0x1b3: {  	v27 =	vadd.f32 v27, v28;
	v28 =	vmul.f32 v36, v23;
	v31 =	vadd.f32 v33, v31;
	v33 =	vld [tilespmem:s19+$0x80]  }
0x1b4: {  	v30 =	vmul.f32 v30, v19;
	v36 =	vld [tilespmem:s19+$0x90]  }
0x1b5: {  	v27 =	vadd.f32 v27, v29;
	v29 =	vmul.f32 v34, v20;
	v28 =	vadd.f32 v28, v32;
	v32 =	vld [tilespmem:s19+$0xA0]  }
0x1b6: {  	v34 =	vmul.f32 v35, v21;
	v35 =	vld [tilespmem:s19+$0xB0]  }
0x1b7: {  	[tilespmem:s17+$0xFFFFFFEF] =	vst v27;
	v27 =	vmul.f32 v37, v22;
	v28 =	vadd.f32 v28, v31;
	v29 =	vadd.f32 v29, v30;
	v30 =	vld [tilespmem:s19+$0xC0]  }
0x1b8: {  	v31 =	vmul.f32 v33, v16;
	v33 =	vld [tilespmem:s19+$0xD0]  }
0x1b9: {  	v27 =	vadd.f32 v27, v34;
	v34 =	vmul.f32 v36, v17;
	v36 =	vld [tilespmem:s19+$0xE0]  }
0x1ba: {  	v32 =	vmul.f32 v32, v18;
	v37 =	vld [tilespmem:s19+$0xF0]  }
0x1bb: {  	v27 =	vadd.f32 v27, v29;
	v29 =	vmul.f32 v35, v23;
	v31 =	vadd.f32 v34, v31;
	v34 =	vld [tilespmem:s19+$0x100]  }
0x1bc: {  	v30 =	vmul.f32 v30, v19;
	v35 =	vld [tilespmem:s19+$0x110]  }
0x1bd: {  	v27 =	vadd.f32 v27, v28;
	v28 =	vmul.f32 v33, v20;
	v29 =	vadd.f32 v29, v32;
	v32 =	vld [tilespmem:s19+$0x120]  }
0x1be: {  	v33 =	vmul.f32 v36, v21;
	v36 =	vld [tilespmem:s19+$0x130]  }
.Ltmp2:
0x1bf: {  	[tilespmem:s17+$0x0] =	vst v27;
	v37 =	vmul.f32 v37, v22;
	v27 =	vadd.f32 v29, v31;
	v38 =	vadd.f32 v28, v30;
	v28 =	vld [tilespmem:s19+$0x140];
	(pc) =	sbr.rel @p0 .LBB2_7-.Ltmp2, $4  }
0x1c0: {  	v34 =	vmul.f32 v34, v16;
	v29 =	vld [tilespmem:s19+$0x150]  }
0x1c1: {  	v37 =	vadd.f32 v37, v33;
	v39 =	vmul.f32 v35, v17;
	v30 =	vld [tilespmem:s19+$0x160]  }
0x1c2: {  	v33 =	vmul.f32 v32, v18;
	v32 =	vld [tilespmem:s19+$0x170]  }
0x1c3: {  	v31 =	vld [tilespmem:s19+$0xFFFFFE00];
	v35 =	vadd.f32 v37, v38;
	v36 =	vmul.f32 v36, v23;
	v34 =	vadd.f32 v39, v34;
	s19 =	sadd.s32 $0x400, s19  }
0x1c4: {  	_ =	sdelay $0x1  }
0x1c5: {  	v17 =	vmul.f32 v28, v19;
	v18 =	vmul.f32 v29, v20  }
0x1c6: {  	v19 =	vmul.f32 v30, v21;
	v20 =	vmul.f32 v32, v22  }
0x1c7: {  	v21 =	vadd.f32 v36, v33;
	v16 =	vmul.f32 v31, v16  }
0x1c8: {  	v17 =	vadd.f32 v18, v17;
	v18 =	vadd.f32 v20, v19  }
0x1c9: {  	v16 =	vadd.f32 v26, v16  }
0x1ca: {  	s18 =	simm.s32 $0x0;
	v19 =	vadd.f32 v21, v34;
	v17 =	vadd.f32 v18, v17  }
0x1cb: {  	v20 =	vadd.s32 s18, v3;
	v18 =	vadd.f32 v35, v27;
	v16 =	vadd.f32 v24, v16  }
0x1cc: {  	v21 =	vadd.s32 s18, v4;
	v17 =	vadd.f32 v17, v19  }
0x1cd: {  	v22 =	vadd.s32 s18, v5;
	[tilespmem:s17+$0x11] =	vst v18;
	v16 =	vadd.f32 v25, v16  }
0x1ce: {  	v23 =	vadd.s32 s18, v6;
	[tilespmem:s17+$0x22] =	vst v17  }
0x1cf: {  	v24 =	vadd.s32 s18, v7;
	[tilespmem:s17+$0xFFFFFFBC] =	vst v16  }
0x1d0: {  	v26 =	vadd.s32 s18, v9;
	v20 =	vld.idx.msk [tilespmem:v20+s25+$0x0], $0xffff  }
0x1d1: {  	v27 =	vadd.s32 s18, v10;
	v21 =	vld.idx.msk [tilespmem:v21+s25+$0x0], $0xffff  }
0x1d2: {  	v28 =	vadd.s32 s18, v11;
	v22 =	vld.idx.msk [tilespmem:v22+s25+$0x0], $0xffff  }
0x1d3: {  	v29 =	vadd.s32 s18, v12;
	v23 =	vld.idx.msk [tilespmem:v23+s25+$0x0], $0xffff  }
0x1d4: {  	v30 =	vadd.s32 s18, v13;
	v24 =	vld.idx.msk [tilespmem:v24+s25+$0x0], $0xffff  }
0x1d5: {  	v31 =	vadd.s32 s18, v14;
	v26 =	vld.idx.msk [tilespmem:v26+s25+$0x0], $0xffff  }
0x1d6: {  	s20 =	simm.s32 $0x110;
	v48 =	vadd.s32 s18, v15;
	v27 =	vld.idx.msk [tilespmem:v27+s25+$0x0], $0xffff  }
0x1d7: {  	v49 =	vadd.s32 s20, v1;
	v28 =	vld.idx.msk [tilespmem:v28+s25+$0x0], $0xffff  }
0x1d8: {  	v50 =	vadd.s32 s20, v2;
	v29 =	vld.idx.msk [tilespmem:v29+s25+$0x0], $0xffff  }
0x1d9: {  	v51 =	vadd.s32 s20, v3;
	v30 =	vld.idx.msk [tilespmem:v30+s25+$0x0], $0xffff  }
0x1da: {  	v52 =	vadd.s32 s20, v4;
	v31 =	vld.idx.msk [tilespmem:v31+s25+$0x0], $0xffff  }
0x1db: {  	v37 =	vadd.s32 s20, v5;
	v32 =	vld.idx.msk [tilespmem:v48+s25+$0x0], $0xffff  }
0x1dc: {  	v38 =	vadd.s32 s20, v6;
	v33 =	vld.idx.msk [tilespmem:v49+s25+$0x0], $0xffff  }
0x1dd: {  	v39 =	vadd.s32 s20, v7;
	v34 =	vld.idx.msk [tilespmem:v50+s25+$0x0], $0xffff  }
0x1de: {  	v40 =	vadd.s32 s20, v8;
	v35 =	vld.idx.msk [tilespmem:v51+s25+$0x0], $0xffff  }
0x1df: {  	v41 =	vadd.s32 s20, v9;
	v36 =	vld.idx.msk [tilespmem:v52+s25+$0x0], $0xffff  }
0x1e0: {  	v42 =	vadd.s32 s20, v10;
	v37 =	vld.idx.msk [tilespmem:v37+s25+$0x0], $0xffff  }
0x1e1: {  	v43 =	vadd.s32 s20, v11;
	v38 =	vld.idx.msk [tilespmem:v38+s25+$0x0], $0xffff  }
0x1e2: {  	v44 =	vadd.s32 s20, v12;
	v39 =	vld.idx.msk [tilespmem:v39+s25+$0x0], $0xffff  }
0x1e3: {  	v45 =	vadd.s32 s20, v13;
	v40 =	vld.idx.msk [tilespmem:v40+s25+$0x0], $0xffff  }
0x1e4: {  	v46 =	vadd.s32 s20, v14;
	v41 =	vld.idx.msk [tilespmem:v41+s25+$0x0], $0xffff  }
0x1e5: {  	v47 =	vadd.s32 s20, v15;
	v42 =	vld.idx.msk [tilespmem:v42+s25+$0x0], $0xffff  }
0x1e6: {  	v18 =	vadd.s32 s18, v1;
	v43 =	vld.idx.msk [tilespmem:v43+s25+$0x0], $0xffff  }
0x1e7: {  	v19 =	vadd.s32 s18, v2;
	v44 =	vld.idx.msk [tilespmem:v44+s25+$0x0], $0xffff  }
0x1e8: {  	v25 =	vadd.s32 s18, v8;
	v45 =	vld.idx.msk [tilespmem:v45+s25+$0x0], $0xffff  }
0x1e9: {  	v17 =	vadd.s32 s18, v0;
	v46 =	vld.idx.msk [tilespmem:v46+s25+$0x0], $0xffff  }
0x1ea: {  	s19 =	simm.s32 $0x330;
	v16 =	vadd.s32 s20, v0;
	v47 =	vld.idx.msk [tilespmem:v47+s25+$0x0], $0xffff  }
0x1eb: {  	s20 =	simm.s32 $0x220;
	v48 =	vadd.s32 s19, v0;
	v18 =	vld.idx.msk [tilespmem:v18+s25+$0x0], $0xffff  }
0x1ec: {  	v49 =	vadd.s32 s20, v0;
	v19 =	vld.idx.msk [tilespmem:v19+s25+$0x0], $0xffff  }
0x1ed: {  	v50 =	vadd.s32 s20, v1;
	v25 =	vld.idx.msk [tilespmem:v25+s25+$0x0], $0xffff  }
0x1ee: {  	v52 =	vadd.s32 s20, v3;
	v17 =	vld.idx.msk [tilespmem:v17+s25+$0x0], $0xffff  }
0x1ef: {  	v54 =	vadd.s32 s20, v5;
	v16 =	vld.idx.msk [tilespmem:v16+s25+$0x0], $0xffff  }
0x1f0: {  	v53 =	vadd.s32 s20, v4;
	v48 =	vld.idx.msk [tilespmem:v48+s25+$0x0], $0xffff  }
0x1f1: {  	v51 =	vadd.s32 s20, v2;
	v49 =	vld.idx.msk [tilespmem:v49+s25+$0x0], $0xffff;
	v21 =	vadd.f32 v22, v21  }
0x1f2: {  	v55 =	vadd.s32 s20, v6;
	v50 =	vld.idx.msk [tilespmem:v50+s25+$0x0], $0xffff;
	v22 =	vadd.f32 v24, v23;
	v29 =	vadd.f32 v30, v29  }
0x1f3: {  	v23 =	vld.idx.msk [tilespmem:v52+s25+$0x0], $0xffff;
	v24 =	vadd.s32 s20, v8;
	v30 =	vadd.f32 v32, v31;
	v63 =	vadd.f32 v47, v46  }
0x1f4: {  	v31 =	vld.idx.msk [tilespmem:v54+s25+$0x0], $0xffff;
	v54 =	vadd.s32 s20, v13;
	v25 =	vadd.f32 v26, v25;
	v26 =	vadd.f32 v28, v27  }
0x1f5: {  	v46 =	vadd.s32 s19, v3;
	v27 =	vld.idx.msk [tilespmem:v53+s25+$0x0], $0xffff;
	v17 =	vadd.f32 v18, v17;
	v18 =	vadd.f32 v20, v19  }
0x1f6: {  	v28 =	vadd.s32 s20, v9;
	v19 =	vld.idx.msk [tilespmem:v51+s25+$0x0], $0xffff  }
0x1f7: {  	v53 =	vadd.s32 s20, v10;
	v17 =	vadd.f32 v18, v17;
	v18 =	vadd.f32 v22, v21;
	v21 =	vld.idx.msk [tilespmem:v55+s25+$0x0], $0xffff  }
0x1f8: {  	v57 =	vadd.s32 s20, v14;
	v24 =	vld.idx.msk [tilespmem:v24+s25+$0x0], $0xffff  }
0x1f9: {  	v60 =	vadd.s32 s20, v15;
	v25 =	vadd.f32 v26, v25;
	v16 =	vadd.f32 v33, v16;
	v33 =	vld.idx.msk [tilespmem:v54+s25+$0x0], $0xffff  }
0x1fa: {  	v20 =	vadd.s32 s20, v7;
	v26 =	vadd.f32 v30, v29;
	v30 =	vadd.f32 v35, v34;
	v34 =	vld.idx.msk [tilespmem:v46+s25+$0x0], $0xffff  }
0x1fb: {  	v58 =	vadd.f32 v41, v40;
	v29 =	vadd.s32 s20, v12;
	v28 =	vld.idx.msk [tilespmem:v28+s25+$0x0], $0xffff  }
0x1fc: {  	v59 =	vadd.f32 v43, v42;
	v62 =	vadd.f32 v45, v44;
	v22 =	vadd.s32 s20, v11;
	v32 =	vld.idx.msk [tilespmem:v53+s25+$0x0], $0xffff  }
0x1fd: {  	v61 =	vadd.s32 s19, v1;
	v17 =	vadd.f32 v18, v17;
	v18 =	vadd.f32 v26, v25;
	v26 =	vld.idx.msk [tilespmem:v57+s25+$0x0], $0xffff  }
0x1fe: {  	v56 =	vadd.f32 v39, v38;
	v45 =	vadd.s32 s19, v2;
	v55 =	vadd.f32 v37, v36;
	v53 =	vld.idx.msk [tilespmem:v60+s25+$0x0], $0xffff  }
0x1ff: {  	v47 =	vadd.f32 v59, v58;
	v51 =	vadd.f32 v63, v62;
	v54 =	vadd.s32 s19, v6;
	v20 =	vld.idx.msk [tilespmem:v20+s25+$0x0], $0xffff  }
0x200: {  	v16 =	vadd.f32 v30, v16;
	v30 =	vadd.f32 v56, v55;
	v25 =	vadd.s32 s19, v4;
	v29 =	vld.idx.msk [tilespmem:v29+s25+$0x0], $0xffff  }
0x201: {  	v58 =	vadd.f32 v50, v49;
	v18 =	vadd.f32 v18, v17;
	v17 =	vadd.s32 s19, v7;
	v22 =	vld.idx.msk [tilespmem:v22+s25+$0x0], $0xffff  }
0x202: {  	v52 =	vadd.s32 s19, v5;
	v55 =	vld.idx.msk [tilespmem:v61+s25+$0x0], $0xffff;
	v16 =	vadd.f32 v30, v16;
	v30 =	vadd.f32 v51, v47  }
0x203: {  	v56 =	vld.idx.msk [tilespmem:v45+s25+$0x0], $0xffff;
	v57 =	vadd.s32 s19, v8;
	v27 =	vadd.f32 v31, v27;
	v59 =	vadd.f32 v23, v19  }
0x204: {  	v60 =	vadd.s32 s19, v9;
	v23 =	vld.idx.msk [tilespmem:v54+s25+$0x0], $0xffff;
	v30 =	vadd.f32 v30, v16;
	v24 =	vadd.f32 v28, v24  }
0x205: {  	v61 =	vadd.s32 s19, v10;
	v20 =	vadd.f32 v20, v21;
	v21 =	vld.idx.msk [tilespmem:v25+s25+$0x0], $0xffff;
	v28 =	vadd.f32 v33, v29  }
0x206: {  	v16 =	vadd.s32 s19, v11;
	v29 =	vadd.f32 v53, v26;
	v26 =	vld.idx.msk [tilespmem:v17+s25+$0x0], $0xffff;
	v25 =	vadd.f32 v22, v32  }
0x207: {  	v19 =	vadd.s32 s19, v12;
	v31 =	vadd.f32 v59, v58;
	v22 =	vld.idx.msk [tilespmem:v52+s25+$0x0], $0xffff;
	v62 =	vadd.f32 v20, v27  }
0x208: {  	v17 =	vadd.s32 s19, v13;
	v27 =	vld.idx.msk [tilespmem:v57+s25+$0x0], $0xffff;
	v29 =	vadd.f32 v29, v28;
	v63 =	vadd.f32 v25, v24  }
0x209: {  	[tilespmem:s2+$0xFFFFFFF0] =	vst v18;
	v20 =	vadd.s32 s19, v14;
	v28 =	vld.idx.msk [tilespmem:v60+s25+$0x0], $0xffff;
	v24 =	vadd.f32 v55, v48;
	v25 =	vadd.f32 v34, v56  }
0x20a: {  	s13 =	sand.u32 $0x7, s13;
	s18 =	simm.s32 $0x550;
	s17 =	simm.s32 $0x2;
	v18 =	vadd.s32 s19, v15;
	[tilespmem:s2+$0x0] =	vst v30;
	v30 =	vadd.f32 v62, v31;
	v31 =	vadd.f32 v29, v63;
	v29 =	vld.idx.msk [tilespmem:v61+s25+$0x0], $0xffff  }
.LBB2_9:
0x20b: {  	s19 =	sadd.s32 $0xFFFFFEF0, s18;
	v32 =	vadd.s32 s18, v0;
	v33 =	vadd.s32 s18, v1;
	v34 =	vadd.s32 s18, v2;
	v35 =	vld.idx.msk [tilespmem:v16+s25+$0x0], $0xffff  }
0x20c: {  	v37 =	vadd.s32 s18, v3;
	v36 =	vadd.s32 s19, v0;
	v16 =	vadd.f32 v31, v30;
	v30 =	vld.idx.msk [tilespmem:v19+s25+$0x0], $0xffff  }
0x20d: {  	v38 =	vadd.s32 s18, v4;
	v39 =	vadd.s32 s18, v5;
	s2 =	sadd.s32 $0x20, s2;
	v31 =	vadd.s32 s19, v1;
	v40 =	vld.idx.msk [tilespmem:v17+s25+$0x0], $0xffff  }
0x20e: {  	v42 =	vadd.s32 s18, v6;
	v43 =	vadd.s32 s18, v7;
	v41 =	vadd.s32 s19, v2;
	[tilespmem:s2+$0xFFFFFFF0] =	vst v16;
	v44 =	vld.idx.msk [tilespmem:v20+s25+$0x0], $0xffff  }
0x20f: {  	v46 =	vadd.s32 s18, v8;
	v47 =	vadd.s32 s18, v9;
	v45 =	vadd.s32 s19, v3;
	v48 =	vld.idx.msk [tilespmem:v18+s25+$0x0], $0xffff  }
0x210: {  	v50 =	vadd.s32 s18, v10;
	v49 =	vadd.s32 s19, v4;
	v16 =	vadd.s32 s18, v11;
	v32 =	vld.idx.msk [tilespmem:v32+s25+$0x0], $0xffff  }
0x211: {  	v51 =	vadd.s32 s19, v5;
	v19 =	vadd.s32 s18, v12;
	v17 =	vadd.s32 s18, v13;
	v36 =	vld.idx.msk [tilespmem:v36+s25+$0x0], $0xffff  }
0x212: {  	v52 =	vadd.s32 s19, v6;
	v20 =	vadd.s32 s18, v14;
	v18 =	vadd.s32 s18, v15;
	v31 =	vld.idx.msk [tilespmem:v31+s25+$0x0], $0xffff  }
0x213: {  	v21 =	vadd.f32 v22, v21;
	v53 =	vadd.s32 s19, v7;
	v22 =	vadd.f32 v26, v23;
	v41 =	vld.idx.msk [tilespmem:v41+s25+$0x0], $0xffff  }
0x214: {  	v26 =	vadd.s32 s19, v8;
	v27 =	vadd.f32 v28, v27;
	v28 =	vadd.f32 v35, v29;
	v23 =	vld.idx.msk [tilespmem:v45+s25+$0x0], $0xffff  }
0x215: {  	v35 =	vadd.s32 s19, v9;
	v30 =	vadd.f32 v40, v30;
	v40 =	vadd.f32 v48, v44;
	v29 =	vld.idx.msk [tilespmem:v49+s25+$0x0], $0xffff  }
0x216: {  	v24 =	vadd.f32 v25, v24;
	v21 =	vadd.f32 v22, v21;
	v45 =	vadd.s32 s19, v10;
	v44 =	vld.idx.msk [tilespmem:v51+s25+$0x0], $0xffff  }
0x217: {  	v25 =	vadd.s32 s19, v11;
	v27 =	vadd.f32 v28, v27;
	v28 =	vadd.f32 v40, v30;
	v22 =	vld.idx.msk [tilespmem:v52+s25+$0x0], $0xffff  }
0x218: {  	v21 =	vadd.f32 v21, v24;
	v40 =	vadd.s32 s19, v12;
	v30 =	vld.idx.msk [tilespmem:v53+s25+$0x0], $0xffff  }
0x219: {  	v27 =	vadd.f32 v28, v27;
	v24 =	vld.idx.msk [tilespmem:v26+s25+$0x0], $0xffff;
	v26 =	vadd.s32 s19, v13  }
0x21a: {  	s17 =	sadd.s32 $0x2, s17;
	v28 =	vld.idx.msk [tilespmem:v35+s25+$0x0], $0xffff;
	v35 =	vadd.s32 s19, v14  }
0x21b: {  	p0 =	slt.u32 s17, $0x6;
	v48 =	vadd.s32 s19, v15;
	v21 =	vadd.f32 v27, v21;
	v45 =	vld.idx.msk [tilespmem:v45+s25+$0x0], $0xffff  }
0x21c: {  	v25 =	vld.idx.msk [tilespmem:v25+s25+$0x0], $0xffff  }
0x21d: {  	v27 =	vld.idx.msk [tilespmem:v40+s25+$0x0], $0xffff;
	[tilespmem:s2+$0x0] =	vst v21  }
0x21e: {  	v26 =	vld.idx.msk [tilespmem:v26+s25+$0x0], $0xffff  }
0x21f: {  	v35 =	vld.idx.msk [tilespmem:v35+s25+$0x0], $0xffff  }
0x220: {  	v40 =	vld.idx.msk [tilespmem:v48+s25+$0x0], $0xffff  }
0x221: {  	v33 =	vld.idx.msk [tilespmem:v33+s25+$0x0], $0xffff  }
0x222: {  	v34 =	vld.idx.msk [tilespmem:v34+s25+$0x0], $0xffff  }
0x223: {  	v31 =	vadd.f32 v31, v36;
	v36 =	vadd.f32 v23, v41;
	v37 =	vld.idx.msk [tilespmem:v37+s25+$0x0], $0xffff  }
0x224: {  	v29 =	vadd.f32 v44, v29;
	v30 =	vadd.f32 v30, v22;
	v21 =	vld.idx.msk [tilespmem:v38+s25+$0x0], $0xffff  }
0x225: {  	v24 =	vadd.f32 v28, v24;
	v25 =	vadd.f32 v25, v45;
	v22 =	vld.idx.msk [tilespmem:v39+s25+$0x0], $0xffff  }
.Ltmp3:
0x226: {  	v27 =	vadd.f32 v26, v27;
	v28 =	vadd.f32 v40, v35;
	v23 =	vld.idx.msk [tilespmem:v42+s25+$0x0], $0xffff;
	(pc) =	sbr.rel @p0 .LBB2_9-.Ltmp3, $4  }
0x227: {  	v31 =	vadd.f32 v36, v31;
	v29 =	vadd.f32 v30, v29;
	v26 =	vld.idx.msk [tilespmem:v43+s25+$0x0], $0xffff  }
0x228: {  	v35 =	vadd.f32 v25, v24;
	v36 =	vadd.f32 v28, v27;
	v27 =	vld.idx.msk [tilespmem:v46+s25+$0x0], $0xffff  }
0x229: {  	v24 =	vadd.f32 v33, v32;
	v25 =	vadd.f32 v37, v34;
	v28 =	vld.idx.msk [tilespmem:v47+s25+$0x0], $0xffff  }
0x22a: {  	s18 =	sadd.s32 $0x220, s18;
	v30 =	vadd.f32 v29, v31;
	v31 =	vadd.f32 v36, v35;
	v29 =	vld.idx.msk [tilespmem:v50+s25+$0x0], $0xffff  }
0x22b: {  	_ =	sdelay $0x3  }
0x22c: {  	v16 =	vld.idx.msk [tilespmem:v16+s25+$0x0], $0xffff  }
0x22d: {  	v19 =	vld.idx.msk [tilespmem:v19+s25+$0x0], $0xffff  }
0x22e: {  	v17 =	vld.idx.msk [tilespmem:v17+s25+$0x0], $0xffff  }
0x22f: {  	v20 =	vld.idx.msk [tilespmem:v20+s25+$0x0], $0xffff  }
0x230: {  	v18 =	vld.idx.msk [tilespmem:v18+s25+$0x0], $0xffff;
	_ =	sdelay $0x2  }
0x231: {  	v21 =	vadd.f32 v22, v21;
	v59 =	vadd.f32 v26, v23  }
0x232: {  	v60 =	vadd.f32 v28, v27;
	v16 =	vadd.f32 v16, v29  }
0x233: {  	v17 =	vadd.f32 v17, v19;
	v18 =	vadd.f32 v18, v20  }
0x234: {  	v61 =	vadd.f32 v25, v24;
	v62 =	vadd.f32 v59, v21  }
0x235: {  	v16 =	vadd.f32 v16, v60;
	v17 =	vadd.f32 v18, v17;
	_ =	sdelay $0x1  }
0x236: {  	p0 =	sne.s32 s13, $0x7;
	v63 =	vadd.f32 v62, v61;
	v16 =	vadd.f32 v17, v16  }
0x237: {  	s13 =	sshll.u32 @!p0 s31, $0x4;
	v17 =	vadd.f32 v31, v30  }
0x238: {  	s2 =	sadd.s32 $0x20, s2;
	s0 =	sand.u32 @!p0 $0xC00, s0;
	s13 =	sand.u32 @!p0 $0x70, s13;
	v16 =	vadd.f32 v16, v63  }
0x239: {  	s30 =	sadd.s32 $0x1, s30;
	s17 =	simm.s32 @!p0 $0x9100;
	s0 =	sor.u32 @!p0 s13, s0;
	[tilespmem:s2+$0xFFFFFFF0] =	vst v17  }
0x23a: {  	s13 =	simm.s32 @!p0 $0x400;
	s0 =	sadd.s32 @!p0 s0, s9;
	[tilespmem:s2+$0x0] =	vst v16;
	s2 =	simm.s32 @!p0 $0x80  }
0x23b: {  	[hbm4b:s0+s2] =	stream.strided.scatter @!p0 [tilespmem:s17], [sflag:$0x5], $0x400, s13, s2, $0x38;
	[tilespmem:$0xAE00] =	vst v63  }
0x23c: {  	p0 =	sne.s32 s30, $0x80  }
.Ltmp4:
0x23d: {  	_ = 	snop;
	(pc) =	sbr.rel @p0 .LBB2_2-.Ltmp4, $2  }
0x23e: {  	_ =	sdelay $0x2  }
0x23f: {  	s29 =	sadd.s32 $0x2, s29  }
0x240: {  	_ =	swait.ge [sflag:s26], $0x400  }
0x241: {  	[sflag:s26] =	ssyncset.done $0x0  }
0x242: {  	[sflag:s26] =	ssyncadd.s32 $0xFFFFFC00  }
0x243: {  	s28 =	sadd.s32 $0x1, s28;
	_ =	swait.ge [sflag:s24], $0x1000  }
0x244: {  	p0 =	sne.s32 s28, s11;
	[sflag:s24] =	ssyncset.done $0x0  }
.Ltmp5:
0x245: {  	s13 =	simm.s32 $0x9E00;
	[sflag:s24] =	ssyncadd.s32 $0xFFFFF000;
	(pc) =	sbr.rel @p0 .LBB2_1-.Ltmp5, $4  }
0x246: {  	[hbm4b:s10+s3] =	stream.linear.scatter [tilespmem:s13], [sflag:$0x7], $0x1000, $0x38;
	[tilespmem:$0xAE00] =	vst v63  }
0x247: {  	_ =	swait.ge [sflag:s14], $0x1000  }
0x248: {  	[sflag:s14] =	ssyncset.done $0x0  }
0x249: {  	[sflag:s14] =	ssyncadd.s32 $0xFFFFF000  }
0x24a: {  	_ =	sfence.sel $0x180000  }
0x24b: {  	[bflag:$0x0] =	sbarrier.arrive $0xFFFF  }
0x24c: {  	_ =	strace $0x90000047  }
0x24d: {  	s0 =	stileid.u32;
	[bflag:$0x2] =	sbarrier.arrive $0xFFFF  }
0x24e: {  	p0 =	sne.s32 s0, $0x0;
	s0 =	rddreg [dreg:$0x4]  }
0x24f: {  	s0 =	sadd.s32 @!p0 $0x100000, s0  }
0x250: {  	[sflag:s0] =	ssyncadd.tile.s32 @!p0 $0x1;
	_ =	shalt  }
.Lfunc_end2:
_tile_overlayer_lowered:
.L_overlay_start_2:
0x251: {  	(tag) =	ssettag $0x2  }
0x252: {  	s0 =	rddreg [dreg:$0x0];
	s2 =	stileid.u32  }
0x253: {  	s1 =	rddreg [dreg:$0x1];
	p0 =	sne.s32 s2, $0x0  }
0x254: {  	s3 =	rddreg [dreg:$0x2];
	[bflag:$0x3] =	sbarrier.arrive $0xFFFF;
	s2 =	simm.s32 @!p0 $0x1C07  }
0x255: {  	[timem:s3], [sflag:s2] =	dma.local @!p0 [hbm:s0], s1  }
0x256: {  	s0 =	simm.s32 @!p0 $0x7  }
0x257: {  	_ =	swait.ge @!p0 [sflag:s0], s1  }
0x258: {  	s1 =	ssub.s32 @!p0 $0x0, s1;
	[sflag:s0] =	ssyncset.done @!p0 $0x0  }
0x259: {  	[sflag:s0] =	ssyncadd.s32 @!p0 s1  }
0x25a: {  	[bflag:$0x3] =	sbarrier.arrive $0xFFFF  }
0x25b: {  	_ =	shalt  }

</sc_bundles>
